<compile_context>
chip_gen: v7x
topology: tpu7x:2x2x1
jax: 0.10.2.dev20260603
libtpu: 0.0.44.dev20260713+nightly
codegen_flags: <defaults>
</compile_context>

<pallas_src>
import functools

import jax
import jax.numpy as jnp
from jax import lax
from jax.experimental import pallas as pl
from jax.experimental.pallas import tpu as pltpu
from jax.experimental.pallas import tpu_sc as plsc

_K = 10
_BN = 1024
_IBIG = 2 ** 30
_FMIN = float(jnp.finfo(jnp.float32).min)
_EPS = float(jnp.finfo(jnp.float32).eps)


_KP = 16


def _topk_body(u_ref, e_ref, od_ref, oi_ref, qn_s, d_s, rv, ri, cnt):
    b = pl.program_id(0)
    q = rv.shape[1]
    bn = e_ref.shape[0]

    @pl.when(b == 0)
    def _init():
        u = u_ref[...]
        un = jnp.sqrt(jnp.sum(u * u, axis=1, keepdims=True))
        qn_s[...] = u / (un + 1e-12)
        rows = lax.broadcasted_iota(jnp.int32, (_KP, q), 0)
        rv[...] = jnp.where(rows < _K, jnp.inf, -jnp.inf)
        ri[...] = rows.astype(jnp.float32)

    e = e_ref[...]
    en = e / (jnp.sqrt(jnp.sum(e * e, axis=1, keepdims=True)) + 1e-12)
    sim = lax.dot_general(qn_s[...], en, (((1,), (1,)), ((), ())),
                          preferred_element_type=jnp.float32)
    d_s[...] = (1.0 - sim).T
    iotaf = lax.broadcasted_iota(jnp.int32, (bn, q), 0).astype(jnp.float32)

    cnt[0] = 1
    for j in range(_K):
        @pl.when(cnt[0] > 0)
        def _round():
            m = jnp.min(d_s[...], axis=0, keepdims=True)
            mv = jnp.max(rv[...], axis=0, keepdims=True)
            better = m < mv
            cnt[0] = jnp.max(better.astype(jnp.int32))

            @pl.when(cnt[0] > 0)
            def _extract():
                d = d_s[...]
                cand = jnp.where(d == m, iotaf, jnp.inf)
                ai = jnp.min(cand, axis=0, keepdims=True)
                d_s[...] = jnp.where(cand == ai, jnp.inf, d)
                gai = ai + jnp.float32(b * bn)
                rvv, rii = rv[...], ri[...]
                mi = jnp.max(jnp.where(rvv == mv, rii, -1.0), axis=0,
                             keepdims=True)
                do = better & (rvv == mv) & (rii == mi)
                rv[...] = jnp.where(do, jnp.broadcast_to(m, rvv.shape), rvv)
                ri[...] = jnp.where(do, jnp.broadcast_to(gai, rii.shape), rii)

    od_ref[...] = rv[...]
    oi_ref[...] = ri[...].astype(jnp.int32)


def _neighbour_topk(users_explicit, explicit_padded):
    q, d = users_explicit.shape
    npad = explicit_padded.shape[0]
    nb = npad // _BN
    return pl.pallas_call(
        _topk_body,
        grid=(nb,),
        in_specs=[
            pl.BlockSpec((q, d), lambda b: (0, 0)),
            pl.BlockSpec((_BN, d), lambda b: (b, 0)),
        ],
        out_specs=[
            pl.BlockSpec((_KP, q), lambda b: (0, 0)),
            pl.BlockSpec((_KP, q), lambda b: (0, 0)),
        ],
        out_shape=[
            jax.ShapeDtypeStruct((_KP, q), jnp.float32),
            jax.ShapeDtypeStruct((_KP, q), jnp.int32),
        ],
        scratch_shapes=[
            pltpu.VMEM((q, d), jnp.float32),
            pltpu.VMEM((_BN, q), jnp.float32),
            pltpu.VMEM((_KP, q), jnp.float32),
            pltpu.VMEM((_KP, q), jnp.float32),
            pltpu.SMEM((1,), jnp.int32),
        ],
    )(users_explicit, explicit_padded)


_SC_NC = 2
_SC_NS = 16
_SC_CHUNK = 80


def _sc_gather(table, idx3):
    nw, nch, chunk = idx3.shape
    b_per_w = nch * chunk
    b_total = nw * b_per_w
    dim = table.shape[1]
    mesh = plsc.VectorSubcoreMesh(core_axis_name="c", subcore_axis_name="s")

    @functools.partial(
        pl.kernel,
        mesh=mesh,
        out_type=jax.ShapeDtypeStruct((b_total, dim), jnp.float32),
        scratch_types=[
            pltpu.VMEM((nch, chunk), jnp.int32),
            pltpu.VMEM((chunk, dim), jnp.float32),
            pltpu.SemaphoreType.DMA,
        ],
    )
    def gather_k(table_hbm, idx_hbm, out_hbm, idx_v, rows_v, sem):
        wid = lax.axis_index("s") * _SC_NC + lax.axis_index("c")
        base = wid * b_per_w
        pltpu.sync_copy(idx_hbm.at[wid], idx_v)
        for c in range(nch):
            pltpu.async_copy(table_hbm.at[idx_v.at[c]], rows_v, sem).wait()
            pltpu.sync_copy(rows_v, out_hbm.at[pl.ds(base + c * chunk, chunk)])

    return gather_k(table, idx3)


def _combine_body(rows_ref, td_ref, u_ref, f_ref, r_ref):
    q = td_ref.shape[0]
    d = u_ref.shape[1]
    w = 1.0 / (td_ref[...] + _EPS)
    acc = w[:, 0:1] * rows_ref[:, 0:d]
    for k in range(1, _K):
        acc = acc + w[:, k:k + 1] * rows_ref[:, k * d:(k + 1) * d]
    ratings = acc / jnp.sum(w, axis=1, keepdims=True)
    filt = jnp.where(u_ref[...] > 0, _FMIN, ratings)
    f_ref[...] = filt
    iot = lax.broadcasted_iota(jnp.int32, (q, d), 1)
    f = filt
    cols = []
    for _ in range(_K):
        m = jnp.max(f, axis=1, keepdims=True)
        cand = jnp.where(f == m, iot, _IBIG)
        ai = jnp.min(cand, axis=1, keepdims=True)
        cols.append(ai)
        f = jnp.where(cand == ai, -jnp.inf, f)
    r_ref[...] = jnp.concatenate(cols, axis=1)


def _combine(rows2d, top_d, users_explicit):
    q, d = users_explicit.shape
    return pl.pallas_call(
        _combine_body,
        out_shape=[
            jax.ShapeDtypeStruct((q, d), jnp.float32),
            jax.ShapeDtypeStruct((q, _K), jnp.int32),
        ],
    )(rows2d, top_d, users_explicit)


def kernel(users_explicit, explicit, n_neighbours, n_recommendations):
    q, d = users_explicit.shape
    n = explicit.shape[0]
    npad = ((n + _BN - 1) // _BN) * _BN
    explicit_padded = jnp.pad(explicit, ((0, npad - n), (0, 0)))
    top_d_t, top_i_t = _neighbour_topk(users_explicit, explicit_padded)
    top_d = top_d_t[:_K].T
    top_i = top_i_t[:_K].T
    nw = _SC_NC * _SC_NS
    idx3 = top_i.reshape(nw, (q * _K) // (nw * _SC_CHUNK), _SC_CHUNK)
    rows = _sc_gather(explicit, idx3)
    rows2d = rows.reshape(q, _K * d)
    filtered, recommendations = _combine(rows2d, top_d, users_explicit)
    return filtered, recommendations

# --- scband reference (transcript-rebuilt; emitter-appended) ---
"""Pipeline reference for scband-recommender-module-base-51393578664640 (READ-ONLY COPY).

The authoritative reference and input builder live on the scoring server;
editing this copy changes nothing except your own understanding.
"""

import jax, jax.numpy as jnp
import numpy as np

N_USERS = 100000
N_ITEMS = 128
Q = 1024
K_NEIGHBOURS = 10
K_RECOMMENDATIONS = 10


def _cosine_distance(a, b):
    a_n = a / (jnp.linalg.norm(a, axis=-1, keepdims=True) + 1e-12)
    b_n = b / (jnp.linalg.norm(b, axis=-1, keepdims=True) + 1e-12)
    return 1.0 - a_n @ b_n.T


def setup_inputs(seed: int = 0) -> dict:
    key = jax.random.key(seed)
    k1, k2, k3, k4 = jax.random.split(key, 4)
    # explicit feedback is sparse: ~5% of entries have ratings in (0, 5]
    ex_vals = jax.random.uniform(k1, (N_USERS, N_ITEMS), dtype=jnp.float32) * 5.0
    ex_mask = jax.random.uniform(k2, (N_USERS, N_ITEMS)) < 0.05
    explicit = jnp.where(ex_mask, ex_vals, 0.0)
    uq_vals = jax.random.uniform(k3, (Q, N_ITEMS), dtype=jnp.float32) * 5.0
    uq_mask = jax.random.uniform(k4, (Q, N_ITEMS)) < 0.05
    users_explicit = jnp.where(uq_mask, uq_vals, 0.0)
    return {
        "users_explicit": users_explicit,
        "explicit": explicit,
        "n_neighbours": 10,
        "n_recommendations": 10,
    }


def reference(users_explicit, explicit, n_neighbours, n_recommendations):
    # online_nn_ratings: cosine kNN against stored explicit matrix
    distances = _cosine_distance(users_explicit, explicit)  # [Q, n_users]
    neg_d, nearest_user_ids = jax.lax.top_k(-distances, K_NEIGHBOURS)
    neighbors_distances = -neg_d + jnp.asarray(n_neighbours, jnp.float32) * 0.0  # [Q, k] smallest distances
    # model forward concretized as explicit-row lookup (memorizing recommender)
    neighbours_ratings = jnp.take(explicit, nearest_user_ids, axis=0)  # [Q, k, n_items]
    eps = jnp.finfo(jnp.float32).eps
    weights = (neighbors_distances + eps) ** (-1)  # [Q, k]
    ratings = jnp.sum(weights[..., None] * neighbours_ratings, axis=1) / jnp.sum(
        weights, axis=1, keepdims=True
    )  # weighted_average
    # filter_already_liked_items
    filtered = jnp.where(users_explicit > 0, jnp.finfo(jnp.float32).min, ratings)
    # ratings_to_recommendations
    _, recommendations = jax.lax.top_k(filtered, K_RECOMMENDATIONS)
    recommendations = recommendations + (jnp.asarray(n_recommendations, recommendations.dtype) * 0)
    return filtered, recommendations

if __name__ == "__main__":
    import jax
    _d = setup_inputs()
    print(jax.jit(kernel)(*tuple(_d.values())))

</pallas_src>

<mosaic_0001>
#map = affine_map<(d0, d1) -> (0, 0)>
#map1 = affine_map<(d0, d1) -> (0, 0, 0)>
module attributes {stable_mosaic.version = 14 : i64} {
  func.func @gather_k(%arg0: i32, %arg1: i32, %arg2: memref<100000x128xf32, #tpu.memory_space<hbm>>, %arg3: memref<32x4x80xi32, #tpu.memory_space<hbm>>, %arg4: memref<10240x128xf32, #tpu.memory_space<hbm>>, %arg5: memref<4x80xi32, #tpu.memory_space<vmem>>, %arg6: memref<80x128xf32, #tpu.memory_space<vmem>>, %arg7: memref<!tpu.dma_semaphore, #tpu.memory_space<semaphore_mem>>) attributes {dimension_semantics = [#tpu.dimension_semantics<core_parallel>, #tpu.dimension_semantics<subcore_parallel>], iteration_bounds = array<i64: 2, 16>, scalar_prefetch = 0 : i64, scratch_operands = 3 : i64, tpu.core_type = #tpu.core_type<sc_vector_subcore>, window_params = [{transform_indices = #map}, {transform_indices = #map1}, {transform_indices = #map}]} {
    %mul3A = arith.constant 2 : i32
    %mul3A_0 = arith.muli %arg1, %mul3A : i32
    %add3A = arith.addi %mul3A_0, %arg0 : i32
    %mul3A_1 = arith.constant 320 : i32
    %mul3A_2 = arith.muli %add3A, %mul3A_1 : i32
    "tpu.region"() ({
      %run_scoped3A = tpu.sem_alloc : memref<!tpu.dma_semaphore, #tpu.memory_space<semaphore_mem>>
      %dma_start3A_65 = arith.constant 0 : i32
      %dma_start3A_66 = arith.constant 0 : i32
      %dma_start3A_67 = tpu.memref_slice %arg3[%add3A, %dma_start3A_65, %dma_start3A_66] : memref<32x4x80xi32, #tpu.memory_space<hbm>> -> memref<1x4x80xi32, #tpu.memory_space<hbm>>
      %dma_start3A_68 = tpu.memref_squeeze %dma_start3A_67 : memref<1x4x80xi32, #tpu.memory_space<hbm>> -> memref<4x80xi32, #tpu.memory_space<hbm>>
      %dma_start3A_69 = arith.constant 0 : i32
      %dma_start3A_70 = arith.constant 0 : i32
      %dma_start3A_71 = tpu.memref_slice %arg3[%add3A, %dma_start3A_69, %dma_start3A_70] : memref<32x4x80xi32, #tpu.memory_space<hbm>> -> memref<1x4x80xi32, #tpu.memory_space<hbm>>
      %dma_start3A_72 = tpu.memref_squeeze %dma_start3A_71 : memref<1x4x80xi32, #tpu.memory_space<hbm>> -> memref<4x80xi32, #tpu.memory_space<hbm>>
      tpu.enqueue_dma source(%dma_start3A_72 : memref<4x80xi32, #tpu.memory_space<hbm>>) target(%arg5 : memref<4x80xi32, #tpu.memory_space<vmem>>) target_semaphore(%run_scoped3A : memref<!tpu.dma_semaphore, #tpu.memory_space<semaphore_mem>>)
      %dma_wait3A_73 = arith.constant 0 : i32
      %dma_wait3A_74 = arith.constant 0 : i32
      %dma_wait3A_75 = tpu.memref_slice %arg3[%add3A, %dma_wait3A_73, %dma_wait3A_74] : memref<32x4x80xi32, #tpu.memory_space<hbm>> -> memref<1x4x80xi32, #tpu.memory_space<hbm>>
      %dma_wait3A_76 = tpu.memref_squeeze %dma_wait3A_75 : memref<1x4x80xi32, #tpu.memory_space<hbm>> -> memref<4x80xi32, #tpu.memory_space<hbm>>
      %dma_wait3A_77 = arith.constant 0 : i32
      %dma_wait3A_78 = arith.constant 0 : i32
      %dma_wait3A_79 = tpu.memref_slice %arg3[%add3A, %dma_wait3A_77, %dma_wait3A_78] : memref<32x4x80xi32, #tpu.memory_space<hbm>> -> memref<1x4x80xi32, #tpu.memory_space<hbm>>
      %dma_wait3A_80 = tpu.memref_squeeze %dma_wait3A_79 : memref<1x4x80xi32, #tpu.memory_space<hbm>> -> memref<4x80xi32, #tpu.memory_space<hbm>>
      tpu.wait_dma2 semaphore(%run_scoped3A : memref<!tpu.dma_semaphore, #tpu.memory_space<semaphore_mem>>) src(%dma_wait3A_80 : memref<4x80xi32, #tpu.memory_space<hbm>>) dst(%arg5 : memref<4x80xi32, #tpu.memory_space<vmem>>)
      tpu.yield
    }) : () -> ()
    %dma_start3A = arith.constant 0 : i32
    %dma_start3A_3 = arith.constant 0 : i32
    %dma_start3A_4 = tpu.memref_slice %arg5[%dma_start3A, %dma_start3A_3] : memref<4x80xi32, #tpu.memory_space<vmem>> -> memref<1x80xi32, #tpu.memory_space<vmem>>
    %dma_start3A_5 = tpu.memref_squeeze %dma_start3A_4 : memref<1x80xi32, #tpu.memory_space<vmem>> -> memref<80xi32, #tpu.memory_space<vmem>>
    %dma_start3A_6 = arith.constant 0 : i32
    %dma_start3A_7 = arith.constant 0 : i32
    %dma_start3A_8 = tpu.memref_slice %arg2[%dma_start3A_6, %dma_start3A_7] : memref<100000x128xf32, #tpu.memory_space<hbm>> -> memref<100000x128xf32, #tpu.memory_space<hbm>>
    tpu.enqueue_indirect_dma source(%dma_start3A_8 : memref<100000x128xf32, #tpu.memory_space<hbm>>) target(%arg6 : memref<80x128xf32, #tpu.memory_space<vmem>>) offsets(%dma_start3A_5 : memref<80xi32, #tpu.memory_space<vmem>>) semaphore(%arg7 : memref<!tpu.dma_semaphore, #tpu.memory_space<semaphore_mem>>)
    %dma_wait3A = arith.constant 0 : i32
    %dma_wait3A_9 = arith.constant 0 : i32
    %dma_wait3A_10 = tpu.memref_slice %arg5[%dma_wait3A, %dma_wait3A_9] : memref<4x80xi32, #tpu.memory_space<vmem>> -> memref<1x80xi32, #tpu.memory_space<vmem>>
    %dma_wait3A_11 = tpu.memref_squeeze %dma_wait3A_10 : memref<1x80xi32, #tpu.memory_space<vmem>> -> memref<80xi32, #tpu.memory_space<vmem>>
    %dma_wait3A_12 = arith.constant 0 : i32
    %dma_wait3A_13 = arith.constant 0 : i32
    %dma_wait3A_14 = tpu.memref_slice %arg2[%dma_wait3A_12, %dma_wait3A_13] : memref<100000x128xf32, #tpu.memory_space<hbm>> -> memref<100000x128xf32, #tpu.memory_space<hbm>>
    tpu.wait_indirect_dma semaphore(%arg7 : memref<!tpu.dma_semaphore, #tpu.memory_space<semaphore_mem>>) src(%dma_wait3A_14 : memref<100000x128xf32, #tpu.memory_space<hbm>>) dst(%arg6 : memref<80x128xf32, #tpu.memory_space<vmem>>)
    %add3A_15 = arith.constant 0 : i32
    %add3A_16 = arith.addi %mul3A_2, %add3A_15 : i32
    "tpu.region"() ({
      %run_scoped3A = tpu.sem_alloc : memref<!tpu.dma_semaphore, #tpu.memory_space<semaphore_mem>>
      %dma_start3A_65 = arith.constant 0 : i32
      %dma_start3A_66 = tpu.memref_slice %arg4[%add3A_16, %dma_start3A_65] : memref<10240x128xf32, #tpu.memory_space<hbm>> -> memref<80x128xf32, #tpu.memory_space<hbm>>
      %dma_start3A_67 = arith.constant 0 : i32
      %dma_start3A_68 = tpu.memref_slice %arg4[%add3A_16, %dma_start3A_67] : memref<10240x128xf32, #tpu.memory_space<hbm>> -> memref<80x128xf32, #tpu.memory_space<hbm>>
      tpu.enqueue_dma source(%arg6 : memref<80x128xf32, #tpu.memory_space<vmem>>) target(%dma_start3A_68 : memref<80x128xf32, #tpu.memory_space<hbm>>) target_semaphore(%run_scoped3A : memref<!tpu.dma_semaphore, #tpu.memory_space<semaphore_mem>>)
      %dma_wait3A_69 = arith.constant 0 : i32
      %dma_wait3A_70 = tpu.memref_slice %arg4[%add3A_16, %dma_wait3A_69] : memref<10240x128xf32, #tpu.memory_space<hbm>> -> memref<80x128xf32, #tpu.memory_space<hbm>>
      %dma_wait3A_71 = arith.constant 0 : i32
      %dma_wait3A_72 = tpu.memref_slice %arg4[%add3A_16, %dma_wait3A_71] : memref<10240x128xf32, #tpu.memory_space<hbm>> -> memref<80x128xf32, #tpu.memory_space<hbm>>
      tpu.wait_dma2 semaphore(%run_scoped3A : memref<!tpu.dma_semaphore, #tpu.memory_space<semaphore_mem>>) src(%arg6 : memref<80x128xf32, #tpu.memory_space<vmem>>) dst(%dma_wait3A_72 : memref<80x128xf32, #tpu.memory_space<hbm>>)
      tpu.yield
    }) : () -> ()
    %dma_start3A_17 = arith.constant 1 : i32
    %dma_start3A_18 = arith.constant 0 : i32
    %dma_start3A_19 = tpu.memref_slice %arg5[%dma_start3A_17, %dma_start3A_18] : memref<4x80xi32, #tpu.memory_space<vmem>> -> memref<1x80xi32, #tpu.memory_space<vmem>>
    %dma_start3A_20 = tpu.memref_squeeze %dma_start3A_19 : memref<1x80xi32, #tpu.memory_space<vmem>> -> memref<80xi32, #tpu.memory_space<vmem>>
    %dma_start3A_21 = arith.constant 0 : i32
    %dma_start3A_22 = arith.constant 0 : i32
    %dma_start3A_23 = tpu.memref_slice %arg2[%dma_start3A_21, %dma_start3A_22] : memref<100000x128xf32, #tpu.memory_space<hbm>> -> memref<100000x128xf32, #tpu.memory_space<hbm>>
    tpu.enqueue_indirect_dma source(%dma_start3A_23 : memref<100000x128xf32, #tpu.memory_space<hbm>>) target(%arg6 : memref<80x128xf32, #tpu.memory_space<vmem>>) offsets(%dma_start3A_20 : memref<80xi32, #tpu.memory_space<vmem>>) semaphore(%arg7 : memref<!tpu.dma_semaphore, #tpu.memory_space<semaphore_mem>>)
    %dma_wait3A_24 = arith.constant 1 : i32
    %dma_wait3A_25 = arith.constant 0 : i32
    %dma_wait3A_26 = tpu.memref_slice %arg5[%dma_wait3A_24, %dma_wait3A_25] : memref<4x80xi32, #tpu.memory_space<vmem>> -> memref<1x80xi32, #tpu.memory_space<vmem>>
    %dma_wait3A_27 = tpu.memref_squeeze %dma_wait3A_26 : memref<1x80xi32, #tpu.memory_space<vmem>> -> memref<80xi32, #tpu.memory_space<vmem>>
    %dma_wait3A_28 = arith.constant 0 : i32
    %dma_wait3A_29 = arith.constant 0 : i32
    %dma_wait3A_30 = tpu.memref_slice %arg2[%dma_wait3A_28, %dma_wait3A_29] : memref<100000x128xf32, #tpu.memory_space<hbm>> -> memref<100000x128xf32, #tpu.memory_space<hbm>>
    tpu.wait_indirect_dma semaphore(%arg7 : memref<!tpu.dma_semaphore, #tpu.memory_space<semaphore_mem>>) src(%dma_wait3A_30 : memref<100000x128xf32, #tpu.memory_space<hbm>>) dst(%arg6 : memref<80x128xf32, #tpu.memory_space<vmem>>)
    %add3A_31 = arith.constant 80 : i32
    %add3A_32 = arith.addi %mul3A_2, %add3A_31 : i32
    "tpu.region"() ({
      %run_scoped3A = tpu.sem_alloc : memref<!tpu.dma_semaphore, #tpu.memory_space<semaphore_mem>>
      %dma_start3A_65 = arith.constant 0 : i32
      %dma_start3A_66 = tpu.memref_slice %arg4[%add3A_32, %dma_start3A_65] : memref<10240x128xf32, #tpu.memory_space<hbm>> -> memref<80x128xf32, #tpu.memory_space<hbm>>
      %dma_start3A_67 = arith.constant 0 : i32
      %dma_start3A_68 = tpu.memref_slice %arg4[%add3A_32, %dma_start3A_67] : memref<10240x128xf32, #tpu.memory_space<hbm>> -> memref<80x128xf32, #tpu.memory_space<hbm>>
      tpu.enqueue_dma source(%arg6 : memref<80x128xf32, #tpu.memory_space<vmem>>) target(%dma_start3A_68 : memref<80x128xf32, #tpu.memory_space<hbm>>) target_semaphore(%run_scoped3A : memref<!tpu.dma_semaphore, #tpu.memory_space<semaphore_mem>>)
      %dma_wait3A_69 = arith.constant 0 : i32
      %dma_wait3A_70 = tpu.memref_slice %arg4[%add3A_32, %dma_wait3A_69] : memref<10240x128xf32, #tpu.memory_space<hbm>> -> memref<80x128xf32, #tpu.memory_space<hbm>>
      %dma_wait3A_71 = arith.constant 0 : i32
      %dma_wait3A_72 = tpu.memref_slice %arg4[%add3A_32, %dma_wait3A_71] : memref<10240x128xf32, #tpu.memory_space<hbm>> -> memref<80x128xf32, #tpu.memory_space<hbm>>
      tpu.wait_dma2 semaphore(%run_scoped3A : memref<!tpu.dma_semaphore, #tpu.memory_space<semaphore_mem>>) src(%arg6 : memref<80x128xf32, #tpu.memory_space<vmem>>) dst(%dma_wait3A_72 : memref<80x128xf32, #tpu.memory_space<hbm>>)
      tpu.yield
    }) : () -> ()
    %dma_start3A_33 = arith.constant 2 : i32
    %dma_start3A_34 = arith.constant 0 : i32
    %dma_start3A_35 = tpu.memref_slice %arg5[%dma_start3A_33, %dma_start3A_34] : memref<4x80xi32, #tpu.memory_space<vmem>> -> memref<1x80xi32, #tpu.memory_space<vmem>>
    %dma_start3A_36 = tpu.memref_squeeze %dma_start3A_35 : memref<1x80xi32, #tpu.memory_space<vmem>> -> memref<80xi32, #tpu.memory_space<vmem>>
    %dma_start3A_37 = arith.constant 0 : i32
    %dma_start3A_38 = arith.constant 0 : i32
    %dma_start3A_39 = tpu.memref_slice %arg2[%dma_start3A_37, %dma_start3A_38] : memref<100000x128xf32, #tpu.memory_space<hbm>> -> memref<100000x128xf32, #tpu.memory_space<hbm>>
    tpu.enqueue_indirect_dma source(%dma_start3A_39 : memref<100000x128xf32, #tpu.memory_space<hbm>>) target(%arg6 : memref<80x128xf32, #tpu.memory_space<vmem>>) offsets(%dma_start3A_36 : memref<80xi32, #tpu.memory_space<vmem>>) semaphore(%arg7 : memref<!tpu.dma_semaphore, #tpu.memory_space<semaphore_mem>>)
    %dma_wait3A_40 = arith.constant 2 : i32
    %dma_wait3A_41 = arith.constant 0 : i32
    %dma_wait3A_42 = tpu.memref_slice %arg5[%dma_wait3A_40, %dma_wait3A_41] : memref<4x80xi32, #tpu.memory_space<vmem>> -> memref<1x80xi32, #tpu.memory_space<vmem>>
    %dma_wait3A_43 = tpu.memref_squeeze %dma_wait3A_42 : memref<1x80xi32, #tpu.memory_space<vmem>> -> memref<80xi32, #tpu.memory_space<vmem>>
    %dma_wait3A_44 = arith.constant 0 : i32
    %dma_wait3A_45 = arith.constant 0 : i32
    %dma_wait3A_46 = tpu.memref_slice %arg2[%dma_wait3A_44, %dma_wait3A_45] : memref<100000x128xf32, #tpu.memory_space<hbm>> -> memref<100000x128xf32, #tpu.memory_space<hbm>>
    tpu.wait_indirect_dma semaphore(%arg7 : memref<!tpu.dma_semaphore, #tpu.memory_space<semaphore_mem>>) src(%dma_wait3A_46 : memref<100000x128xf32, #tpu.memory_space<hbm>>) dst(%arg6 : memref<80x128xf32, #tpu.memory_space<vmem>>)
    %add3A_47 = arith.constant 160 : i32
    %add3A_48 = arith.addi %mul3A_2, %add3A_47 : i32
    "tpu.region"() ({
      %run_scoped3A = tpu.sem_alloc : memref<!tpu.dma_semaphore, #tpu.memory_space<semaphore_mem>>
      %dma_start3A_65 = arith.constant 0 : i32
      %dma_start3A_66 = tpu.memref_slice %arg4[%add3A_48, %dma_start3A_65] : memref<10240x128xf32, #tpu.memory_space<hbm>> -> memref<80x128xf32, #tpu.memory_space<hbm>>
      %dma_start3A_67 = arith.constant 0 : i32
      %dma_start3A_68 = tpu.memref_slice %arg4[%add3A_48, %dma_start3A_67] : memref<10240x128xf32, #tpu.memory_space<hbm>> -> memref<80x128xf32, #tpu.memory_space<hbm>>
      tpu.enqueue_dma source(%arg6 : memref<80x128xf32, #tpu.memory_space<vmem>>) target(%dma_start3A_68 : memref<80x128xf32, #tpu.memory_space<hbm>>) target_semaphore(%run_scoped3A : memref<!tpu.dma_semaphore, #tpu.memory_space<semaphore_mem>>)
      %dma_wait3A_69 = arith.constant 0 : i32
      %dma_wait3A_70 = tpu.memref_slice %arg4[%add3A_48, %dma_wait3A_69] : memref<10240x128xf32, #tpu.memory_space<hbm>> -> memref<80x128xf32, #tpu.memory_space<hbm>>
      %dma_wait3A_71 = arith.constant 0 : i32
      %dma_wait3A_72 = tpu.memref_slice %arg4[%add3A_48, %dma_wait3A_71] : memref<10240x128xf32, #tpu.memory_space<hbm>> -> memref<80x128xf32, #tpu.memory_space<hbm>>
      tpu.wait_dma2 semaphore(%run_scoped3A : memref<!tpu.dma_semaphore, #tpu.memory_space<semaphore_mem>>) src(%arg6 : memref<80x128xf32, #tpu.memory_space<vmem>>) dst(%dma_wait3A_72 : memref<80x128xf32, #tpu.memory_space<hbm>>)
      tpu.yield
    }) : () -> ()
    %dma_start3A_49 = arith.constant 3 : i32
    %dma_start3A_50 = arith.constant 0 : i32
    %dma_start3A_51 = tpu.memref_slice %arg5[%dma_start3A_49, %dma_start3A_50] : memref<4x80xi32, #tpu.memory_space<vmem>> -> memref<1x80xi32, #tpu.memory_space<vmem>>
    %dma_start3A_52 = tpu.memref_squeeze %dma_start3A_51 : memref<1x80xi32, #tpu.memory_space<vmem>> -> memref<80xi32, #tpu.memory_space<vmem>>
    %dma_start3A_53 = arith.constant 0 : i32
    %dma_start3A_54 = arith.constant 0 : i32
    %dma_start3A_55 = tpu.memref_slice %arg2[%dma_start3A_53, %dma_start3A_54] : memref<100000x128xf32, #tpu.memory_space<hbm>> -> memref<100000x128xf32, #tpu.memory_space<hbm>>
    tpu.enqueue_indirect_dma source(%dma_start3A_55 : memref<100000x128xf32, #tpu.memory_space<hbm>>) target(%arg6 : memref<80x128xf32, #tpu.memory_space<vmem>>) offsets(%dma_start3A_52 : memref<80xi32, #tpu.memory_space<vmem>>) semaphore(%arg7 : memref<!tpu.dma_semaphore, #tpu.memory_space<semaphore_mem>>)
    %dma_wait3A_56 = arith.constant 3 : i32
    %dma_wait3A_57 = arith.constant 0 : i32
    %dma_wait3A_58 = tpu.memref_slice %arg5[%dma_wait3A_56, %dma_wait3A_57] : memref<4x80xi32, #tpu.memory_space<vmem>> -> memref<1x80xi32, #tpu.memory_space<vmem>>
    %dma_wait3A_59 = tpu.memref_squeeze %dma_wait3A_58 : memref<1x80xi32, #tpu.memory_space<vmem>> -> memref<80xi32, #tpu.memory_space<vmem>>
    %dma_wait3A_60 = arith.constant 0 : i32
    %dma_wait3A_61 = arith.constant 0 : i32
    %dma_wait3A_62 = tpu.memref_slice %arg2[%dma_wait3A_60, %dma_wait3A_61] : memref<100000x128xf32, #tpu.memory_space<hbm>> -> memref<100000x128xf32, #tpu.memory_space<hbm>>
    tpu.wait_indirect_dma semaphore(%arg7 : memref<!tpu.dma_semaphore, #tpu.memory_space<semaphore_mem>>) src(%dma_wait3A_62 : memref<100000x128xf32, #tpu.memory_space<hbm>>) dst(%arg6 : memref<80x128xf32, #tpu.memory_space<vmem>>)
    %add3A_63 = arith.constant 240 : i32
    %add3A_64 = arith.addi %mul3A_2, %add3A_63 : i32
    "tpu.region"() ({
      %run_scoped3A = tpu.sem_alloc : memref<!tpu.dma_semaphore, #tpu.memory_space<semaphore_mem>>
      %dma_start3A_65 = arith.constant 0 : i32
      %dma_start3A_66 = tpu.memref_slice %arg4[%add3A_64, %dma_start3A_65] : memref<10240x128xf32, #tpu.memory_space<hbm>> -> memref<80x128xf32, #tpu.memory_space<hbm>>
      %dma_start3A_67 = arith.constant 0 : i32
      %dma_start3A_68 = tpu.memref_slice %arg4[%add3A_64, %dma_start3A_67] : memref<10240x128xf32, #tpu.memory_space<hbm>> -> memref<80x128xf32, #tpu.memory_space<hbm>>
      tpu.enqueue_dma source(%arg6 : memref<80x128xf32, #tpu.memory_space<vmem>>) target(%dma_start3A_68 : memref<80x128xf32, #tpu.memory_space<hbm>>) target_semaphore(%run_scoped3A : memref<!tpu.dma_semaphore, #tpu.memory_space<semaphore_mem>>)
      %dma_wait3A_69 = arith.constant 0 : i32
      %dma_wait3A_70 = tpu.memref_slice %arg4[%add3A_64, %dma_wait3A_69] : memref<10240x128xf32, #tpu.memory_space<hbm>> -> memref<80x128xf32, #tpu.memory_space<hbm>>
      %dma_wait3A_71 = arith.constant 0 : i32
      %dma_wait3A_72 = tpu.memref_slice %arg4[%add3A_64, %dma_wait3A_71] : memref<10240x128xf32, #tpu.memory_space<hbm>> -> memref<80x128xf32, #tpu.memory_space<hbm>>
      tpu.wait_dma2 semaphore(%run_scoped3A : memref<!tpu.dma_semaphore, #tpu.memory_space<semaphore_mem>>) src(%arg6 : memref<80x128xf32, #tpu.memory_space<vmem>>) dst(%dma_wait3A_72 : memref<80x128xf32, #tpu.memory_space<hbm>>)
      tpu.yield
    }) : () -> ()
    return
  }
}

module attributes {stable_mosaic.version = 14 : i64} {
  func.func @_topk_body(%arg0: i32, %arg1: memref<1024x128xf32, #tpu.memory_space<vmem>>, %arg2: memref<1024x128xf32, #tpu.memory_space<vmem>>, %arg3: memref<16x1024xf32, #tpu.memory_space<vmem>>, %arg4: memref<16x1024xi32, #tpu.memory_space<vmem>>, %arg5: memref<1024x128xf32, #tpu.memory_space<vmem>>, %arg6: memref<1024x1024xf32, #tpu.memory_space<vmem>>, %arg7: memref<16x1024xf32, #tpu.memory_space<vmem>>, %arg8: memref<16x1024xf32, #tpu.memory_space<vmem>>, %arg9: memref<1xi32, #tpu.memory_space<smem>>) attributes {dimension_semantics = [#tpu.dimension_semantics<arbitrary>], iteration_bounds = array<i64: 98>, scalar_prefetch = 0 : i64, scratch_operands = 5 : i64, tpu.core_type = #tpu.core_type<tc>, window_params = [{pipeline_mode = #tpu.pipeline_mode<synchronous>, transform_indices = @transform_0, window_bounds = array<i64: 1024, 128>}, {transform_indices = @transform_1, window_bounds = array<i64: 1024, 128>}, {pipeline_mode = #tpu.pipeline_mode<synchronous>, transform_indices = @transform_2, window_bounds = array<i64: 16, 1024>}, {pipeline_mode = #tpu.pipeline_mode<synchronous>, transform_indices = @transform_3, window_bounds = array<i64: 16, 1024>}]} {
    %eq3A = arith.constant 0 : i32
    %eq3A_0 = arith.cmpi eq, %arg0, %eq3A : i32
    %convert_element_type3A = arith.extui %eq3A_0 : i1 to i32
    %cond3A = arith.constant 0 : i32
    %cond3A_1 = arith.cmpi ne, %convert_element_type3A, %cond3A : i32
    scf.if %cond3A_1 {
      %get3A_102 = arith.constant 0 : index
      %get3A_103 = arith.constant 0 : index
      %get3A_104 = vector.load %arg1[%get3A_102, %get3A_103] : memref<1024x128xf32, #tpu.memory_space<vmem>>, vector<1024x128xf32>
      %mul3A_105 = arith.mulf %get3A_104, %get3A_104 : vector<1024x128xf32>
      %reduce_sum3A_106 = arith.constant dense<0.000000e+00> : vector<1024xf32>
      %reduce_sum3A_107 = vector.multi_reduction <add>, %mul3A_105, %reduce_sum3A_106 [1] : vector<1024x128xf32> to vector<1024xf32>
      %broadcast_in_dim3A_108 = vector.shape_cast %reduce_sum3A_107 : vector<1024xf32> to vector<1024x1xf32>
      %sqrt3A_109 = math.sqrt %broadcast_in_dim3A_108 : vector<1024x1xf32>
      %add3A_110 = arith.constant 9.99999996E-13 : f32
      %add3A_111 = vector.broadcast %add3A_110 : f32 to vector<1024x1xf32>
      %add3A_112 = arith.addf %sqrt3A_109, %add3A_111 : vector<1024x1xf32>
      %div3A_113 = vector.broadcast %add3A_112 : vector<1024x1xf32> to vector<1024x128xf32>
      %div3A_114 = arith.divf %get3A_104, %div3A_113 : vector<1024x128xf32>
      %swap3A_115 = arith.constant 0 : index
      %swap3A_116 = arith.constant 0 : index
      %swap3A_117 = vector.load %arg5[%swap3A_115, %swap3A_116] : memref<1024x128xf32, #tpu.memory_space<vmem>>, vector<1024x128xf32>
      tpu.vector_store %arg5[%swap3A_115, %swap3A_116], %div3A_114 {strides = array<i32>} : memref<1024x128xf32, #tpu.memory_space<vmem>>, vector<1024x128xf32>,
      %iota3A_118 = tpu.iota {dimensions = array<i32: 0>} : vector<16x1024xi32>
      %lt3A = arith.constant 10 : i32
      %lt3A_119 = vector.broadcast %lt3A : i32 to vector<16x1024xi32>
      %lt3A_120 = arith.cmpi slt, %iota3A_118, %lt3A_119 : vector<16x1024xi32>
      %jit3A = arith.constant 0x7F800000 : f32
      %jit3A_121 = arith.constant 0xFF800000 : f32
      %broadcast_in_dim3A_122 = vector.broadcast %jit3A : f32 to vector<16x1024xf32>
      %broadcast_in_dim3A_123 = vector.broadcast %jit3A_121 : f32 to vector<16x1024xf32>
      %select_n3A = arith.select %lt3A_120, %broadcast_in_dim3A_122, %broadcast_in_dim3A_123 : vector<16x1024xi1>, vector<16x1024xf32>
      %swap3A_124 = arith.constant 0 : index
      %swap3A_125 = arith.constant 0 : index
      %swap3A_126 = vector.load %arg7[%swap3A_124, %swap3A_125] : memref<16x1024xf32, #tpu.memory_space<vmem>>, vector<16x1024xf32>
      tpu.vector_store %arg7[%swap3A_124, %swap3A_125], %select_n3A {strides = array<i32>} : memref<16x1024xf32, #tpu.memory_space<vmem>>, vector<16x1024xf32>,
      %convert_element_type3A_127 = arith.sitofp %iota3A_118 : vector<16x1024xi32> to vector<16x1024xf32>
      %swap3A_128 = arith.constant 0 : index
      %swap3A_129 = arith.constant 0 : index
      %swap3A_130 = vector.load %arg8[%swap3A_128, %swap3A_129] : memref<16x1024xf32, #tpu.memory_space<vmem>>, vector<16x1024xf32>
      tpu.vector_store %arg8[%swap3A_128, %swap3A_129], %convert_element_type3A_127 {strides = array<i32>} : memref<16x1024xf32, #tpu.memory_space<vmem>>, vector<16x1024xf32>,
    } else {
    }
    %get3A = arith.constant 0 : index
    %get3A_2 = arith.constant 0 : index
    %get3A_3 = vector.load %arg2[%get3A, %get3A_2] : memref<1024x128xf32, #tpu.memory_space<vmem>>, vector<1024x128xf32>
    %mul3A = arith.mulf %get3A_3, %get3A_3 : vector<1024x128xf32>
    %reduce_sum3A = arith.constant dense<0.000000e+00> : vector<1024xf32>
    %reduce_sum3A_4 = vector.multi_reduction <add>, %mul3A, %reduce_sum3A [1] : vector<1024x128xf32> to vector<1024xf32>
    %broadcast_in_dim3A = vector.shape_cast %reduce_sum3A_4 : vector<1024xf32> to vector<1024x1xf32>
    %sqrt3A = math.sqrt %broadcast_in_dim3A : vector<1024x1xf32>
    %add3A = arith.constant 9.99999996E-13 : f32
    %add3A_5 = vector.broadcast %add3A : f32 to vector<1024x1xf32>
    %add3A_6 = arith.addf %sqrt3A, %add3A_5 : vector<1024x1xf32>
    %div3A = vector.broadcast %add3A_6 : vector<1024x1xf32> to vector<1024x128xf32>
    %div3A_7 = arith.divf %get3A_3, %div3A : vector<1024x128xf32>
    %get3A_8 = arith.constant 0 : index
    %get3A_9 = arith.constant 0 : index
    %get3A_10 = vector.load %arg5[%get3A_8, %get3A_9] : memref<1024x128xf32, #tpu.memory_space<vmem>>, vector<1024x128xf32>
    %dot_general3A = arith.constant dense<0.000000e+00> : vector<1024x1024xf32>
    %dot_general3A_11 = tpu.matmul %get3A_10, %div3A_7, %dot_general3A {dimension_numbers = #tpu.dot_dimension_numbers<[1], [1], [0], [0], [0, 0, 1, 0], [], []>, transpose_lhs_hint = false} : vector<1024x128xf32>, vector<1024x128xf32>, vector<1024x1024xf32> -> vector<1024x1024xf32>
    %sub3A = arith.constant 1.000000e+00 : f32
    %sub3A_12 = vector.broadcast %sub3A : f32 to vector<1024x1024xf32>
    %sub3A_13 = arith.subf %sub3A_12, %dot_general3A_11 : vector<1024x1024xf32>
    %transpose3A = tpu.transpose %sub3A_13, [1, 0] : vector<1024x1024xf32> -> vector<1024x1024xf32>
    %swap3A = arith.constant 0 : index
    %swap3A_14 = arith.constant 0 : index
    %swap3A_15 = vector.load %arg6[%swap3A, %swap3A_14] : memref<1024x1024xf32, #tpu.memory_space<vmem>>, vector<1024x1024xf32>
    tpu.vector_store %arg6[%swap3A, %swap3A_14], %transpose3A {strides = array<i32>} : memref<1024x1024xf32, #tpu.memory_space<vmem>>, vector<1024x1024xf32>,
    %iota3A = tpu.iota {dimensions = array<i32: 0>} : vector<1024x1024xi32>
    %convert_element_type3A_16 = arith.sitofp %iota3A : vector<1024x1024xi32> to vector<1024x1024xf32>
    %swap3A_17 = arith.constant 1 : i32
    %swap3A_18 = arith.constant 0 : index
    %swap3A_19 = memref.load %arg9[%swap3A_18] : memref<1xi32, #tpu.memory_space<smem>>
    memref.store %swap3A_17, %arg9[%swap3A_18] : memref<1xi32, #tpu.memory_space<smem>>
    %get3A_20 = arith.constant 0 : index
    %get3A_21 = memref.load %arg9[%get3A_20] : memref<1xi32, #tpu.memory_space<smem>>
    %gt3A = arith.constant 0 : i32
    %gt3A_22 = arith.cmpi sgt, %get3A_21, %gt3A : i32
    %convert_element_type3A_23 = arith.extui %gt3A_22 : i1 to i32
    %cond3A_24 = arith.constant 0 : i32
    %cond3A_25 = arith.cmpi ne, %convert_element_type3A_23, %cond3A_24 : i32
    scf.if %cond3A_25 {
      %get3A_102 = arith.constant 0 : index
      %get3A_103 = arith.constant 0 : index
      %get3A_104 = vector.load %arg6[%get3A_102, %get3A_103] : memref<1024x1024xf32, #tpu.memory_space<vmem>>, vector<1024x1024xf32>
      %reduce_min3A = arith.constant dense<0x7F800000> : vector<1024xf32>
      %reduce_min3A_105 = vector.multi_reduction <minimumf>, %get3A_104, %reduce_min3A [0] : vector<1024x1024xf32> to vector<1024xf32>
      %broadcast_in_dim3A_106 = vector.shape_cast %reduce_min3A_105 : vector<1024xf32> to vector<1x1024xf32>
      %get3A_107 = arith.constant 0 : index
      %get3A_108 = arith.constant 0 : index
      %get3A_109 = vector.load %arg7[%get3A_107, %get3A_108] : memref<16x1024xf32, #tpu.memory_space<vmem>>, vector<16x1024xf32>
      %reduce_max3A = arith.constant dense<0xFF800000> : vector<1024xf32>
      %reduce_max3A_110 = vector.multi_reduction <maximumf>, %get3A_109, %reduce_max3A [0] : vector<16x1024xf32> to vector<1024xf32>
      %broadcast_in_dim3A_111 = vector.shape_cast %reduce_max3A_110 : vector<1024xf32> to vector<1x1024xf32>
      %lt3A = arith.cmpf olt, %broadcast_in_dim3A_106, %broadcast_in_dim3A_111 : vector<1x1024xf32>
      %convert_element_type3A_112 = arith.extui %lt3A : vector<1x1024xi1> to vector<1x1024xi32>
      %reduce_max3A_113 = vector.shape_cast %convert_element_type3A_112 : vector<1x1024xi32> to vector<1x1x1024xi32>
      %reduce_max3A_114 = arith.constant dense<-2147483648> : vector<1xi32>
      %reduce_max3A_115 = vector.multi_reduction <maxsi>, %reduce_max3A_113, %reduce_max3A_114 [1, 2] : vector<1x1x1024xi32> to vector<1xi32>
      %reduce_max3A_116 = vector.shape_cast %reduce_max3A_115 : vector<1xi32> to vector<1x1x1xi32>
      %reduce_max3A_117 = vector.extract %reduce_max3A_116[0, 0, 0] : i32 from vector<1x1x1xi32>
      %swap3A_118 = arith.constant 0 : index
      %swap3A_119 = memref.load %arg9[%swap3A_118] : memref<1xi32, #tpu.memory_space<smem>>
      memref.store %reduce_max3A_117, %arg9[%swap3A_118] : memref<1xi32, #tpu.memory_space<smem>>
      %get3A_120 = arith.constant 0 : index
      %get3A_121 = memref.load %arg9[%get3A_120] : memref<1xi32, #tpu.memory_space<smem>>
      %gt3A_122 = arith.constant 0 : i32
      %gt3A_123 = arith.cmpi sgt, %get3A_121, %gt3A_122 : i32
      %convert_element_type3A_124 = arith.extui %gt3A_123 : i1 to i32
      %cond3A_125 = arith.constant 0 : i32
      %cond3A_126 = arith.cmpi ne, %convert_element_type3A_124, %cond3A_125 : i32
      scf.if %cond3A_126 {
        %get3A_127 = arith.constant 0 : index
        %get3A_128 = arith.constant 0 : index
        %get3A_129 = vector.load %arg6[%get3A_127, %get3A_128] : memref<1024x1024xf32, #tpu.memory_space<vmem>>, vector<1024x1024xf32>
        %eq3A_130 = vector.broadcast %broadcast_in_dim3A_106 : vector<1x1024xf32> to vector<1024x1024xf32>
        %eq3A_131 = arith.cmpf oeq, %get3A_129, %eq3A_130 : vector<1024x1024xf32>
        %jit3A = arith.constant 0x7F800000 : f32
        %broadcast_in_dim3A_132 = vector.broadcast %jit3A : f32 to vector<1024x1024xf32>
        %select_n3A = arith.select %eq3A_131, %convert_element_type3A_16, %broadcast_in_dim3A_132 : vector<1024x1024xi1>, vector<1024x1024xf32>
        %reduce_min3A_133 = arith.constant dense<0x7F800000> : vector<1024xf32>
        %reduce_min3A_134 = vector.multi_reduction <minimumf>, %select_n3A, %reduce_min3A_133 [0] : vector<1024x1024xf32> to vector<1024xf32>
        %broadcast_in_dim3A_135 = vector.shape_cast %reduce_min3A_134 : vector<1024xf32> to vector<1x1024xf32>
        %eq3A_136 = vector.broadcast %broadcast_in_dim3A_135 : vector<1x1024xf32> to vector<1024x1024xf32>
        %eq3A_137 = arith.cmpf oeq, %select_n3A, %eq3A_136 : vector<1024x1024xf32>
        %jit3A_138 = arith.constant 0x7F800000 : f32
        %broadcast_in_dim3A_139 = vector.broadcast %jit3A_138 : f32 to vector<1024x1024xf32>
        %select_n3A_140 = arith.select %eq3A_137, %broadcast_in_dim3A_139, %get3A_129 : vector<1024x1024xi1>, vector<1024x1024xf32>
        %swap3A_141 = arith.constant 0 : index
        %swap3A_142 = arith.constant 0 : index
        %swap3A_143 = vector.load %arg6[%swap3A_141, %swap3A_142] : memref<1024x1024xf32, #tpu.memory_space<vmem>>, vector<1024x1024xf32>
        tpu.vector_store %arg6[%swap3A_141, %swap3A_142], %select_n3A_140 {strides = array<i32>} : memref<1024x1024xf32, #tpu.memory_space<vmem>>, vector<1024x1024xf32>,
        %mul3A_144 = arith.constant 1024 : i32
        %mul3A_145 = arith.muli %arg0, %mul3A_144 : i32
        %convert_element_type3A_146 = arith.sitofp %mul3A_145 : i32 to f32
        %add3A_147 = vector.broadcast %convert_element_type3A_146 : f32 to vector<1x1024xf32>
        %add3A_148 = arith.addf %broadcast_in_dim3A_135, %add3A_147 : vector<1x1024xf32>
        %get3A_149 = arith.constant 0 : index
        %get3A_150 = arith.constant 0 : index
        %get3A_151 = vector.load %arg7[%get3A_149, %get3A_150] : memref<16x1024xf32, #tpu.memory_space<vmem>>, vector<16x1024xf32>
        %get3A_152 = arith.constant 0 : index
        %get3A_153 = arith.constant 0 : index
        %get3A_154 = vector.load %arg8[%get3A_152, %get3A_153] : memref<16x1024xf32, #tpu.memory_space<vmem>>, vector<16x1024xf32>
        %eq3A_155 = vector.broadcast %broadcast_in_dim3A_111 : vector<1x1024xf32> to vector<16x1024xf32>
        %eq3A_156 = arith.cmpf oeq, %get3A_151, %eq3A_155 : vector<16x1024xf32>
        %jit3A_157 = arith.constant -1.000000e+00 : f32
        %broadcast_in_dim3A_158 = vector.broadcast %jit3A_157 : f32 to vector<16x1024xf32>
        %select_n3A_159 = arith.select %eq3A_156, %get3A_154, %broadcast_in_dim3A_158 : vector<16x1024xi1>, vector<16x1024xf32>
        %reduce_max3A_160 = arith.constant dense<0xFF800000> : vector<1024xf32>
        %reduce_max3A_161 = vector.multi_reduction <maximumf>, %select_n3A_159, %reduce_max3A_160 [0] : vector<16x1024xf32> to vector<1024xf32>
        %broadcast_in_dim3A_162 = vector.shape_cast %reduce_max3A_161 : vector<1024xf32> to vector<1x1024xf32>
        %eq3A_163 = vector.broadcast %broadcast_in_dim3A_111 : vector<1x1024xf32> to vector<16x1024xf32>
        %eq3A_164 = arith.cmpf oeq, %get3A_151, %eq3A_163 : vector<16x1024xf32>
        %and3A = vector.broadcast %lt3A : vector<1x1024xi1> to vector<16x1024xi1>
        %and3A_165 = arith.andi %and3A, %eq3A_164 : vector<16x1024xi1>
        %eq3A_166 = vector.broadcast %broadcast_in_dim3A_162 : vector<1x1024xf32> to vector<16x1024xf32>
        %eq3A_167 = arith.cmpf oeq, %get3A_154, %eq3A_166 : vector<16x1024xf32>
        %and3A_168 = arith.andi %and3A_165, %eq3A_167 : vector<16x1024xi1>
        %broadcast_in_dim3A_169 = vector.shape_cast %broadcast_in_dim3A_106 : vector<1x1024xf32> to vector<1x1024xf32>
        %broadcast_in_dim3A_170 = vector.broadcast %broadcast_in_dim3A_169 : vector<1x1024xf32> to vector<16x1024xf32>
        %select_n3A_171 = arith.select %and3A_168, %broadcast_in_dim3A_170, %get3A_151 : vector<16x1024xi1>, vector<16x1024xf32>
        %swap3A_172 = arith.constant 0 : index
        %swap3A_173 = arith.constant 0 : index
        %swap3A_174 = vector.load %arg7[%swap3A_172, %swap3A_173] : memref<16x1024xf32, #tpu.memory_space<vmem>>, vector<16x1024xf32>
        tpu.vector_store %arg7[%swap3A_172, %swap3A_173], %select_n3A_171 {strides = array<i32>} : memref<16x1024xf32, #tpu.memory_space<vmem>>, vector<16x1024xf32>,
        %broadcast_in_dim3A_175 = vector.shape_cast %add3A_148 : vector<1x1024xf32> to vector<1x1024xf32>
        %broadcast_in_dim3A_176 = vector.broadcast %broadcast_in_dim3A_175 : vector<1x1024xf32> to vector<16x1024xf32>
        %select_n3A_177 = arith.select %and3A_168, %broadcast_in_dim3A_176, %get3A_154 : vector<16x1024xi1>, vector<16x1024xf32>
        %swap3A_178 = arith.constant 0 : index
        %swap3A_179 = arith.constant 0 : index
        %swap3A_180 = vector.load %arg8[%swap3A_178, %swap3A_179] : memref<16x1024xf32, #tpu.memory_space<vmem>>, vector<16x1024xf32>
        tpu.vector_store %arg8[%swap3A_178, %swap3A_179], %select_n3A_177 {strides = array<i32>} : memref<16x1024xf32, #tpu.memory_space<vmem>>, vector<16x1024xf32>,
      } else {
      }
    } else {
    }
    %get3A_26 = arith.constant 0 : index
    %get3A_27 = memref.load %arg9[%get3A_26] : memref<1xi32, #tpu.memory_space<smem>>
    %gt3A_28 = arith.constant 0 : i32
    %gt3A_29 = arith.cmpi sgt, %get3A_27, %gt3A_28 : i32
    %convert_element_type3A_30 = arith.extui %gt3A_29 : i1 to i32
    %cond3A_31 = arith.constant 0 : i32
    %cond3A_32 = arith.cmpi ne, %convert_element_type3A_30, %cond3A_31 : i32
    scf.if %cond3A_32 {
      %get3A_102 = arith.constant 0 : index
      %get3A_103 = arith.constant 0 : index
      %get3A_104 = vector.load %arg6[%get3A_102, %get3A_103] : memref<1024x1024xf32, #tpu.memory_space<vmem>>, vector<1024x1024xf32>
      %reduce_min3A = arith.constant dense<0x7F800000> : vector<1024xf32>
      %reduce_min3A_105 = vector.multi_reduction <minimumf>, %get3A_104, %reduce_min3A [0] : vector<1024x1024xf32> to vector<1024xf32>
      %broadcast_in_dim3A_106 = vector.shape_cast %reduce_min3A_105 : vector<1024xf32> to vector<1x1024xf32>
      %get3A_107 = arith.constant 0 : index
      %get3A_108 = arith.constant 0 : index
      %get3A_109 = vector.load %arg7[%get3A_107, %get3A_108] : memref<16x1024xf32, #tpu.memory_space<vmem>>, vector<16x1024xf32>
      %reduce_max3A = arith.constant dense<0xFF800000> : vector<1024xf32>
      %reduce_max3A_110 = vector.multi_reduction <maximumf>, %get3A_109, %reduce_max3A [0] : vector<16x1024xf32> to vector<1024xf32>
      %broadcast_in_dim3A_111 = vector.shape_cast %reduce_max3A_110 : vector<1024xf32> to vector<1x1024xf32>
      %lt3A = arith.cmpf olt, %broadcast_in_dim3A_106, %broadcast_in_dim3A_111 : vector<1x1024xf32>
      %convert_element_type3A_112 = arith.extui %lt3A : vector<1x1024xi1> to vector<1x1024xi32>
      %reduce_max3A_113 = vector.shape_cast %convert_element_type3A_112 : vector<1x1024xi32> to vector<1x1x1024xi32>
      %reduce_max3A_114 = arith.constant dense<-2147483648> : vector<1xi32>
      %reduce_max3A_115 = vector.multi_reduction <maxsi>, %reduce_max3A_113, %reduce_max3A_114 [1, 2] : vector<1x1x1024xi32> to vector<1xi32>
      %reduce_max3A_116 = vector.shape_cast %reduce_max3A_115 : vector<1xi32> to vector<1x1x1xi32>
      %reduce_max3A_117 = vector.extract %reduce_max3A_116[0, 0, 0] : i32 from vector<1x1x1xi32>
      %swap3A_118 = arith.constant 0 : index
      %swap3A_119 = memref.load %arg9[%swap3A_118] : memref<1xi32, #tpu.memory_space<smem>>
      memref.store %reduce_max3A_117, %arg9[%swap3A_118] : memref<1xi32, #tpu.memory_space<smem>>
      %get3A_120 = arith.constant 0 : index
      %get3A_121 = memref.load %arg9[%get3A_120] : memref<1xi32, #tpu.memory_space<smem>>
      %gt3A_122 = arith.constant 0 : i32
      %gt3A_123 = arith.cmpi sgt, %get3A_121, %gt3A_122 : i32
      %convert_element_type3A_124 = arith.extui %gt3A_123 : i1 to i32
      %cond3A_125 = arith.constant 0 : i32
      %cond3A_126 = arith.cmpi ne, %convert_element_type3A_124, %cond3A_125 : i32
      scf.if %cond3A_126 {
        %get3A_127 = arith.constant 0 : index
        %get3A_128 = arith.constant 0 : index
        %get3A_129 = vector.load %arg6[%get3A_127, %get3A_128] : memref<1024x1024xf32, #tpu.memory_space<vmem>>, vector<1024x1024xf32>
        %eq3A_130 = vector.broadcast %broadcast_in_dim3A_106 : vector<1x1024xf32> to vector<1024x1024xf32>
        %eq3A_131 = arith.cmpf oeq, %get3A_129, %eq3A_130 : vector<1024x1024xf32>
        %jit3A = arith.constant 0x7F800000 : f32
        %broadcast_in_dim3A_132 = vector.broadcast %jit3A : f32 to vector<1024x1024xf32>
        %select_n3A = arith.select %eq3A_131, %convert_element_type3A_16, %broadcast_in_dim3A_132 : vector<1024x1024xi1>, vector<1024x1024xf32>
        %reduce_min3A_133 = arith.constant dense<0x7F800000> : vector<1024xf32>
        %reduce_min3A_134 = vector.multi_reduction <minimumf>, %select_n3A, %reduce_min3A_133 [0] : vector<1024x1024xf32> to vector<1024xf32>
        %broadcast_in_dim3A_135 = vector.shape_cast %reduce_min3A_134 : vector<1024xf32> to vector<1x1024xf32>
        %eq3A_136 = vector.broadcast %broadcast_in_dim3A_135 : vector<1x1024xf32> to vector<1024x1024xf32>
        %eq3A_137 = arith.cmpf oeq, %select_n3A, %eq3A_136 : vector<1024x1024xf32>
        %jit3A_138 = arith.constant 0x7F800000 : f32
        %broadcast_in_dim3A_139 = vector.broadcast %jit3A_138 : f32 to vector<1024x1024xf32>
        %select_n3A_140 = arith.select %eq3A_137, %broadcast_in_dim3A_139, %get3A_129 : vector<1024x1024xi1>, vector<1024x1024xf32>
        %swap3A_141 = arith.constant 0 : index
        %swap3A_142 = arith.constant 0 : index
        %swap3A_143 = vector.load %arg6[%swap3A_141, %swap3A_142] : memref<1024x1024xf32, #tpu.memory_space<vmem>>, vector<1024x1024xf32>
        tpu.vector_store %arg6[%swap3A_141, %swap3A_142], %select_n3A_140 {strides = array<i32>} : memref<1024x1024xf32, #tpu.memory_space<vmem>>, vector<1024x1024xf32>,
        %mul3A_144 = arith.constant 1024 : i32
        %mul3A_145 = arith.muli %arg0, %mul3A_144 : i32
        %convert_element_type3A_146 = arith.sitofp %mul3A_145 : i32 to f32
        %add3A_147 = vector.broadcast %convert_element_type3A_146 : f32 to vector<1x1024xf32>
        %add3A_148 = arith.addf %broadcast_in_dim3A_135, %add3A_147 : vector<1x1024xf32>
        %get3A_149 = arith.constant 0 : index
        %get3A_150 = arith.constant 0 : index
        %get3A_151 = vector.load %arg7[%get3A_149, %get3A_150] : memref<16x1024xf32, #tpu.memory_space<vmem>>, vector<16x1024xf32>
        %get3A_152 = arith.constant 0 : index
        %get3A_153 = arith.constant 0 : index
        %get3A_154 = vector.load %arg8[%get3A_152, %get3A_153] : memref<16x1024xf32, #tpu.memory_space<vmem>>, vector<16x1024xf32>
        %eq3A_155 = vector.broadcast %broadcast_in_dim3A_111 : vector<1x1024xf32> to vector<16x1024xf32>
        %eq3A_156 = arith.cmpf oeq, %get3A_151, %eq3A_155 : vector<16x1024xf32>
        %jit3A_157 = arith.constant -1.000000e+00 : f32
        %broadcast_in_dim3A_158 = vector.broadcast %jit3A_157 : f32 to vector<16x1024xf32>
        %select_n3A_159 = arith.select %eq3A_156, %get3A_154, %broadcast_in_dim3A_158 : vector<16x1024xi1>, vector<16x1024xf32>
        %reduce_max3A_160 = arith.constant dense<0xFF800000> : vector<1024xf32>
        %reduce_max3A_161 = vector.multi_reduction <maximumf>, %select_n3A_159, %reduce_max3A_160 [0] : vector<16x1024xf32> to vector<1024xf32>
        %broadcast_in_dim3A_162 = vector.shape_cast %reduce_max3A_161 : vector<1024xf32> to vector<1x1024xf32>
        %eq3A_163 = vector.broadcast %broadcast_in_dim3A_111 : vector<1x1024xf32> to vector<16x1024xf32>
        %eq3A_164 = arith.cmpf oeq, %get3A_151, %eq3A_163 : vector<16x1024xf32>
        %and3A = vector.broadcast %lt3A : vector<1x1024xi1> to vector<16x1024xi1>
        %and3A_165 = arith.andi %and3A, %eq3A_164 : vector<16x1024xi1>
        %eq3A_166 = vector.broadcast %broadcast_in_dim3A_162 : vector<1x1024xf32> to vector<16x1024xf32>
        %eq3A_167 = arith.cmpf oeq, %get3A_154, %eq3A_166 : vector<16x1024xf32>
        %and3A_168 = arith.andi %and3A_165, %eq3A_167 : vector<16x1024xi1>
        %broadcast_in_dim3A_169 = vector.shape_cast %broadcast_in_dim3A_106 : vector<1x1024xf32> to vector<1x1024xf32>
        %broadcast_in_dim3A_170 = vector.broadcast %broadcast_in_dim3A_169 : vector<1x1024xf32> to vector<16x1024xf32>
        %select_n3A_171 = arith.select %and3A_168, %broadcast_in_dim3A_170, %get3A_151 : vector<16x1024xi1>, vector<16x1024xf32>
        %swap3A_172 = arith.constant 0 : index
        %swap3A_173 = arith.constant 0 : index
        %swap3A_174 = vector.load %arg7[%swap3A_172, %swap3A_173] : memref<16x1024xf32, #tpu.memory_space<vmem>>, vector<16x1024xf32>
        tpu.vector_store %arg7[%swap3A_172, %swap3A_173], %select_n3A_171 {strides = array<i32>} : memref<16x1024xf32, #tpu.memory_space<vmem>>, vector<16x1024xf32>,
        %broadcast_in_dim3A_175 = vector.shape_cast %add3A_148 : vector<1x1024xf32> to vector<1x1024xf32>
        %broadcast_in_dim3A_176 = vector.broadcast %broadcast_in_dim3A_175 : vector<1x1024xf32> to vector<16x1024xf32>
        %select_n3A_177 = arith.select %and3A_168, %broadcast_in_dim3A_176, %get3A_154 : vector<16x1024xi1>, vector<16x1024xf32>
        %swap3A_178 = arith.constant 0 : index
        %swap3A_179 = arith.constant 0 : index
        %swap3A_180 = vector.load %arg8[%swap3A_178, %swap3A_179] : memref<16x1024xf32, #tpu.memory_space<vmem>>, vector<16x1024xf32>
        tpu.vector_store %arg8[%swap3A_178, %swap3A_179], %select_n3A_177 {strides = array<i32>} : memref<16x1024xf32, #tpu.memory_space<vmem>>, vector<16x1024xf32>,
      } else {
      }
    } else {
    }
    %get3A_33 = arith.constant 0 : index
    %get3A_34 = memref.load %arg9[%get3A_33] : memref<1xi32, #tpu.memory_space<smem>>
    %gt3A_35 = arith.constant 0 : i32
    %gt3A_36 = arith.cmpi sgt, %get3A_34, %gt3A_35 : i32
    %convert_element_type3A_37 = arith.extui %gt3A_36 : i1 to i32
    %cond3A_38 = arith.constant 0 : i32
    %cond3A_39 = arith.cmpi ne, %convert_element_type3A_37, %cond3A_38 : i32
    scf.if %cond3A_39 {
      %get3A_102 = arith.constant 0 : index
      %get3A_103 = arith.constant 0 : index
      %get3A_104 = vector.load %arg6[%get3A_102, %get3A_103] : memref<1024x1024xf32, #tpu.memory_space<vmem>>, vector<1024x1024xf32>
      %reduce_min3A = arith.constant dense<0x7F800000> : vector<1024xf32>
      %reduce_min3A_105 = vector.multi_reduction <minimumf>, %get3A_104, %reduce_min3A [0] : vector<1024x1024xf32> to vector<1024xf32>
      %broadcast_in_dim3A_106 = vector.shape_cast %reduce_min3A_105 : vector<1024xf32> to vector<1x1024xf32>
      %get3A_107 = arith.constant 0 : index
      %get3A_108 = arith.constant 0 : index
      %get3A_109 = vector.load %arg7[%get3A_107, %get3A_108] : memref<16x1024xf32, #tpu.memory_space<vmem>>, vector<16x1024xf32>
      %reduce_max3A = arith.constant dense<0xFF800000> : vector<1024xf32>
      %reduce_max3A_110 = vector.multi_reduction <maximumf>, %get3A_109, %reduce_max3A [0] : vector<16x1024xf32> to vector<1024xf32>
      %broadcast_in_dim3A_111 = vector.shape_cast %reduce_max3A_110 : vector<1024xf32> to vector<1x1024xf32>
      %lt3A = arith.cmpf olt, %broadcast_in_dim3A_106, %broadcast_in_dim3A_111 : vector<1x1024xf32>
      %convert_element_type3A_112 = arith.extui %lt3A : vector<1x1024xi1> to vector<1x1024xi32>
      %reduce_max3A_113 = vector.shape_cast %convert_element_type3A_112 : vector<1x1024xi32> to vector<1x1x1024xi32>
      %reduce_max3A_114 = arith.constant dense<-2147483648> : vector<1xi32>
      %reduce_max3A_115 = vector.multi_reduction <maxsi>, %reduce_max3A_113, %reduce_max3A_114 [1, 2] : vector<1x1x1024xi32> to vector<1xi32>
      %reduce_max3A_116 = vector.shape_cast %reduce_max3A_115 : vector<1xi32> to vector<1x1x1xi32>
      %reduce_max3A_117 = vector.extract %reduce_max3A_116[0, 0, 0] : i32 from vector<1x1x1xi32>
      %swap3A_118 = arith.constant 0 : index
      %swap3A_119 = memref.load %arg9[%swap3A_118] : memref<1xi32, #tpu.memory_space<smem>>
      memref.store %reduce_max3A_117, %arg9[%swap3A_118] : memref<1xi32, #tpu.memory_space<smem>>
      %get3A_120 = arith.constant 0 : index
      %get3A_121 = memref.load %arg9[%get3A_120] : memref<1xi32, #tpu.memory_space<smem>>
      %gt3A_122 = arith.constant 0 : i32
      %gt3A_123 = arith.cmpi sgt, %get3A_121, %gt3A_122 : i32
      %convert_element_type3A_124 = arith.extui %gt3A_123 : i1 to i32
      %cond3A_125 = arith.constant 0 : i32
      %cond3A_126 = arith.cmpi ne, %convert_element_type3A_124, %cond3A_125 : i32
      scf.if %cond3A_126 {
        %get3A_127 = arith.constant 0 : index
        %get3A_128 = arith.constant 0 : index
        %get3A_129 = vector.load %arg6[%get3A_127, %get3A_128] : memref<1024x1024xf32, #tpu.memory_space<vmem>>, vector<1024x1024xf32>
        %eq3A_130 = vector.broadcast %broadcast_in_dim3A_106 : vector<1x1024xf32> to vector<1024x1024xf32>
        %eq3A_131 = arith.cmpf oeq, %get3A_129, %eq3A_130 : vector<1024x1024xf32>
        %jit3A = arith.constant 0x7F800000 : f32
        %broadcast_in_dim3A_132 = vector.broadcast %jit3A : f32 to vector<1024x1024xf32>
        %select_n3A = arith.select %eq3A_131, %convert_element_type3A_16, %broadcast_in_dim3A_132 : vector<1024x1024xi1>, vector<1024x1024xf32>
        %reduce_min3A_133 = arith.constant dense<0x7F800000> : vector<1024xf32>
        %reduce_min3A_134 = vector.multi_reduction <minimumf>, %select_n3A, %reduce_min3A_133 [0] : vector<1024x1024xf32> to vector<1024xf32>
        %broadcast_in_dim3A_135 = vector.shape_cast %reduce_min3A_134 : vector<1024xf32> to vector<1x1024xf32>
        %eq3A_136 = vector.broadcast %broadcast_in_dim3A_135 : vector<1x1024xf32> to vector<1024x1024xf32>
        %eq3A_137 = arith.cmpf oeq, %select_n3A, %eq3A_136 : vector<1024x1024xf32>
        %jit3A_138 = arith.constant 0x7F800000 : f32
        %broadcast_in_dim3A_139 = vector.broadcast %jit3A_138 : f32 to vector<1024x1024xf32>
        %select_n3A_140 = arith.select %eq3A_137, %broadcast_in_dim3A_139, %get3A_129 : vector<1024x1024xi1>, vector<1024x1024xf32>
        %swap3A_141 = arith.constant 0 : index
        %swap3A_142 = arith.constant 0 : index
        %swap3A_143 = vector.load %arg6[%swap3A_141, %swap3A_142] : memref<1024x1024xf32, #tpu.memory_space<vmem>>, vector<1024x1024xf32>
        tpu.vector_store %arg6[%swap3A_141, %swap3A_142], %select_n3A_140 {strides = array<i32>} : memref<1024x1024xf32, #tpu.memory_space<vmem>>, vector<1024x1024xf32>,
        %mul3A_144 = arith.constant 1024 : i32
        %mul3A_145 = arith.muli %arg0, %mul3A_144 : i32
        %convert_element_type3A_146 = arith.sitofp %mul3A_145 : i32 to f32
        %add3A_147 = vector.broadcast %convert_element_type3A_146 : f32 to vector<1x1024xf32>
        %add3A_148 = arith.addf %broadcast_in_dim3A_135, %add3A_147 : vector<1x1024xf32>
        %get3A_149 = arith.constant 0 : index
        %get3A_150 = arith.constant 0 : index
        %get3A_151 = vector.load %arg7[%get3A_149, %get3A_150] : memref<16x1024xf32, #tpu.memory_space<vmem>>, vector<16x1024xf32>
        %get3A_152 = arith.constant 0 : index
        %get3A_153 = arith.constant 0 : index
        %get3A_154 = vector.load %arg8[%get3A_152, %get3A_153] : memref<16x1024xf32, #tpu.memory_space<vmem>>, vector<16x1024xf32>
        %eq3A_155 = vector.broadcast %broadcast_in_dim3A_111 : vector<1x1024xf32> to vector<16x1024xf32>
        %eq3A_156 = arith.cmpf oeq, %get3A_151, %eq3A_155 : vector<16x1024xf32>
        %jit3A_157 = arith.constant -1.000000e+00 : f32
        %broadcast_in_dim3A_158 = vector.broadcast %jit3A_157 : f32 to vector<16x1024xf32>
        %select_n3A_159 = arith.select %eq3A_156, %get3A_154, %broadcast_in_dim3A_158 : vector<16x1024xi1>, vector<16x1024xf32>
        %reduce_max3A_160 = arith.constant dense<0xFF800000> : vector<1024xf32>
        %reduce_max3A_161 = vector.multi_reduction <maximumf>, %select_n3A_159, %reduce_max3A_160 [0] : vector<16x1024xf32> to vector<1024xf32>
        %broadcast_in_dim3A_162 = vector.shape_cast %reduce_max3A_161 : vector<1024xf32> to vector<1x1024xf32>
        %eq3A_163 = vector.broadcast %broadcast_in_dim3A_111 : vector<1x1024xf32> to vector<16x1024xf32>
        %eq3A_164 = arith.cmpf oeq, %get3A_151, %eq3A_163 : vector<16x1024xf32>
        %and3A = vector.broadcast %lt3A : vector<1x1024xi1> to vector<16x1024xi1>
        %and3A_165 = arith.andi %and3A, %eq3A_164 : vector<16x1024xi1>
        %eq3A_166 = vector.broadcast %broadcast_in_dim3A_162 : vector<1x1024xf32> to vector<16x1024xf32>
        %eq3A_167 = arith.cmpf oeq, %get3A_154, %eq3A_166 : vector<16x1024xf32>
        %and3A_168 = arith.andi %and3A_165, %eq3A_167 : vector<16x1024xi1>
        %broadcast_in_dim3A_169 = vector.shape_cast %broadcast_in_dim3A_106 : vector<1x1024xf32> to vector<1x1024xf32>
        %broadcast_in_dim3A_170 = vector.broadcast %broadcast_in_dim3A_169 : vector<1x1024xf32> to vector<16x1024xf32>
        %select_n3A_171 = arith.select %and3A_168, %broadcast_in_dim3A_170, %get3A_151 : vector<16x1024xi1>, vector<16x1024xf32>
        %swap3A_172 = arith.constant 0 : index
        %swap3A_173 = arith.constant 0 : index
        %swap3A_174 = vector.load %arg7[%swap3A_172, %swap3A_173] : memref<16x1024xf32, #tpu.memory_space<vmem>>, vector<16x1024xf32>
        tpu.vector_store %arg7[%swap3A_172, %swap3A_173], %select_n3A_171 {strides = array<i32>} : memref<16x1024xf32, #tpu.memory_space<vmem>>, vector<16x1024xf32>,
        %broadcast_in_dim3A_175 = vector.shape_cast %add3A_148 : vector<1x1024xf32> to vector<1x1024xf32>
        %broadcast_in_dim3A_176 = vector.broadcast %broadcast_in_dim3A_175 : vector<1x1024xf32> to vector<16x1024xf32>
        %select_n3A_177 = arith.select %and3A_168, %broadcast_in_dim3A_176, %get3A_154 : vector<16x1024xi1>, vector<16x1024xf32>
        %swap3A_178 = arith.constant 0 : index
        %swap3A_179 = arith.constant 0 : index
        %swap3A_180 = vector.load %arg8[%swap3A_178, %swap3A_179] : memref<16x1024xf32, #tpu.memory_space<vmem>>, vector<16x1024xf32>
        tpu.vector_store %arg8[%swap3A_178, %swap3A_179], %select_n3A_177 {strides = array<i32>} : memref<16x1024xf32, #tpu.memory_space<vmem>>, vector<16x1024xf32>,
      } else {
      }
    } else {
    }
    %get3A_40 = arith.constant 0 : index
    %get3A_41 = memref.load %arg9[%get3A_40] : memref<1xi32, #tpu.memory_space<smem>>
    %gt3A_42 = arith.constant 0 : i32
    %gt3A_43 = arith.cmpi sgt, %get3A_41, %gt3A_42 : i32
    %convert_element_type3A_44 = arith.extui %gt3A_43 : i1 to i32
    %cond3A_45 = arith.constant 0 : i32
    %cond3A_46 = arith.cmpi ne, %convert_element_type3A_44, %cond3A_45 : i32
    scf.if %cond3A_46 {
      %get3A_102 = arith.constant 0 : index
      %get3A_103 = arith.constant 0 : index
      %get3A_104 = vector.load %arg6[%get3A_102, %get3A_103] : memref<1024x1024xf32, #tpu.memory_space<vmem>>, vector<1024x1024xf32>
      %reduce_min3A = arith.constant dense<0x7F800000> : vector<1024xf32>
      %reduce_min3A_105 = vector.multi_reduction <minimumf>, %get3A_104, %reduce_min3A [0] : vector<1024x1024xf32> to vector<1024xf32>
      %broadcast_in_dim3A_106 = vector.shape_cast %reduce_min3A_105 : vector<1024xf32> to vector<1x1024xf32>
      %get3A_107 = arith.constant 0 : index
      %get3A_108 = arith.constant 0 : index
      %get3A_109 = vector.load %arg7[%get3A_107, %get3A_108] : memref<16x1024xf32, #tpu.memory_space<vmem>>, vector<16x1024xf32>
      %reduce_max3A = arith.constant dense<0xFF800000> : vector<1024xf32>
      %reduce_max3A_110 = vector.multi_reduction <maximumf>, %get3A_109, %reduce_max3A [0] : vector<16x1024xf32> to vector<1024xf32>
      %broadcast_in_dim3A_111 = vector.shape_cast %reduce_max3A_110 : vector<1024xf32> to vector<1x1024xf32>
      %lt3A = arith.cmpf olt, %broadcast_in_dim3A_106, %broadcast_in_dim3A_111 : vector<1x1024xf32>
      %convert_element_type3A_112 = arith.extui %lt3A : vector<1x1024xi1> to vector<1x1024xi32>
      %reduce_max3A_113 = vector.shape_cast %convert_element_type3A_112 : vector<1x1024xi32> to vector<1x1x1024xi32>
      %reduce_max3A_114 = arith.constant dense<-2147483648> : vector<1xi32>
      %reduce_max3A_115 = vector.multi_reduction <maxsi>, %reduce_max3A_113, %reduce_max3A_114 [1, 2] : vector<1x1x1024xi32> to vector<1xi32>
      %reduce_max3A_116 = vector.shape_cast %reduce_max3A_115 : vector<1xi32> to vector<1x1x1xi32>
      %reduce_max3A_117 = vector.extract %reduce_max3A_116[0, 0, 0] : i32 from vector<1x1x1xi32>
      %swap3A_118 = arith.constant 0 : index
      %swap3A_119 = memref.load %arg9[%swap3A_118] : memref<1xi32, #tpu.memory_space<smem>>
      memref.store %reduce_max3A_117, %arg9[%swap3A_118] : memref<1xi32, #tpu.memory_space<smem>>
      %get3A_120 = arith.constant 0 : index
      %get3A_121 = memref.load %arg9[%get3A_120] : memref<1xi32, #tpu.memory_space<smem>>
      %gt3A_122 = arith.constant 0 : i32
      %gt3A_123 = arith.cmpi sgt, %get3A_121, %gt3A_122 : i32
      %convert_element_type3A_124 = arith.extui %gt3A_123 : i1 to i32
      %cond3A_125 = arith.constant 0 : i32
      %cond3A_126 = arith.cmpi ne, %convert_element_type3A_124, %cond3A_125 : i32
      scf.if %cond3A_126 {
        %get3A_127 = arith.constant 0 : index
        %get3A_128 = arith.constant 0 : index
        %get3A_129 = vector.load %arg6[%get3A_127, %get3A_128] : memref<1024x1024xf32, #tpu.memory_space<vmem>>, vector<1024x1024xf32>
        %eq3A_130 = vector.broadcast %broadcast_in_dim3A_106 : vector<1x1024xf32> to vector<1024x1024xf32>
        %eq3A_131 = arith.cmpf oeq, %get3A_129, %eq3A_130 : vector<1024x1024xf32>
        %jit3A = arith.constant 0x7F800000 : f32
        %broadcast_in_dim3A_132 = vector.broadcast %jit3A : f32 to vector<1024x1024xf32>
        %select_n3A = arith.select %eq3A_131, %convert_element_type3A_16, %broadcast_in_dim3A_132 : vector<1024x1024xi1>, vector<1024x1024xf32>
        %reduce_min3A_133 = arith.constant dense<0x7F800000> : vector<1024xf32>
        %reduce_min3A_134 = vector.multi_reduction <minimumf>, %select_n3A, %reduce_min3A_133 [0] : vector<1024x1024xf32> to vector<1024xf32>
        %broadcast_in_dim3A_135 = vector.shape_cast %reduce_min3A_134 : vector<1024xf32> to vector<1x1024xf32>
        %eq3A_136 = vector.broadcast %broadcast_in_dim3A_135 : vector<1x1024xf32> to vector<1024x1024xf32>
        %eq3A_137 = arith.cmpf oeq, %select_n3A, %eq3A_136 : vector<1024x1024xf32>
        %jit3A_138 = arith.constant 0x7F800000 : f32
        %broadcast_in_dim3A_139 = vector.broadcast %jit3A_138 : f32 to vector<1024x1024xf32>
        %select_n3A_140 = arith.select %eq3A_137, %broadcast_in_dim3A_139, %get3A_129 : vector<1024x1024xi1>, vector<1024x1024xf32>
        %swap3A_141 = arith.constant 0 : index
        %swap3A_142 = arith.constant 0 : index
        %swap3A_143 = vector.load %arg6[%swap3A_141, %swap3A_142] : memref<1024x1024xf32, #tpu.memory_space<vmem>>, vector<1024x1024xf32>
        tpu.vector_store %arg6[%swap3A_141, %swap3A_142], %select_n3A_140 {strides = array<i32>} : memref<1024x1024xf32, #tpu.memory_space<vmem>>, vector<1024x1024xf32>,
        %mul3A_144 = arith.constant 1024 : i32
        %mul3A_145 = arith.muli %arg0, %mul3A_144 : i32
        %convert_element_type3A_146 = arith.sitofp %mul3A_145 : i32 to f32
        %add3A_147 = vector.broadcast %convert_element_type3A_146 : f32 to vector<1x1024xf32>
        %add3A_148 = arith.addf %broadcast_in_dim3A_135, %add3A_147 : vector<1x1024xf32>
        %get3A_149 = arith.constant 0 : index
        %get3A_150 = arith.constant 0 : index
        %get3A_151 = vector.load %arg7[%get3A_149, %get3A_150] : memref<16x1024xf32, #tpu.memory_space<vmem>>, vector<16x1024xf32>
        %get3A_152 = arith.constant 0 : index
        %get3A_153 = arith.constant 0 : index
        %get3A_154 = vector.load %arg8[%get3A_152, %get3A_153] : memref<16x1024xf32, #tpu.memory_space<vmem>>, vector<16x1024xf32>
        %eq3A_155 = vector.broadcast %broadcast_in_dim3A_111 : vector<1x1024xf32> to vector<16x1024xf32>
        %eq3A_156 = arith.cmpf oeq, %get3A_151, %eq3A_155 : vector<16x1024xf32>
        %jit3A_157 = arith.constant -1.000000e+00 : f32
        %broadcast_in_dim3A_158 = vector.broadcast %jit3A_157 : f32 to vector<16x1024xf32>
        %select_n3A_159 = arith.select %eq3A_156, %get3A_154, %broadcast_in_dim3A_158 : vector<16x1024xi1>, vector<16x1024xf32>
        %reduce_max3A_160 = arith.constant dense<0xFF800000> : vector<1024xf32>
        %reduce_max3A_161 = vector.multi_reduction <maximumf>, %select_n3A_159, %reduce_max3A_160 [0] : vector<16x1024xf32> to vector<1024xf32>
        %broadcast_in_dim3A_162 = vector.shape_cast %reduce_max3A_161 : vector<1024xf32> to vector<1x1024xf32>
        %eq3A_163 = vector.broadcast %broadcast_in_dim3A_111 : vector<1x1024xf32> to vector<16x1024xf32>
        %eq3A_164 = arith.cmpf oeq, %get3A_151, %eq3A_163 : vector<16x1024xf32>
        %and3A = vector.broadcast %lt3A : vector<1x1024xi1> to vector<16x1024xi1>
        %and3A_165 = arith.andi %and3A, %eq3A_164 : vector<16x1024xi1>
        %eq3A_166 = vector.broadcast %broadcast_in_dim3A_162 : vector<1x1024xf32> to vector<16x1024xf32>
        %eq3A_167 = arith.cmpf oeq, %get3A_154, %eq3A_166 : vector<16x1024xf32>
        %and3A_168 = arith.andi %and3A_165, %eq3A_167 : vector<16x1024xi1>
        %broadcast_in_dim3A_169 = vector.shape_cast %broadcast_in_dim3A_106 : vector<1x1024xf32> to vector<1x1024xf32>
        %broadcast_in_dim3A_170 = vector.broadcast %broadcast_in_dim3A_169 : vector<1x1024xf32> to vector<16x1024xf32>
        %select_n3A_171 = arith.select %and3A_168, %broadcast_in_dim3A_170, %get3A_151 : vector<16x1024xi1>, vector<16x1024xf32>
        %swap3A_172 = arith.constant 0 : index
        %swap3A_173 = arith.constant 0 : index
        %swap3A_174 = vector.load %arg7[%swap3A_172, %swap3A_173] : memref<16x1024xf32, #tpu.memory_space<vmem>>, vector<16x1024xf32>
        tpu.vector_store %arg7[%swap3A_172, %swap3A_173], %select_n3A_171 {strides = array<i32>} : memref<16x1024xf32, #tpu.memory_space<vmem>>, vector<16x1024xf32>,
        %broadcast_in_dim3A_175 = vector.shape_cast %add3A_148 : vector<1x1024xf32> to vector<1x1024xf32>
        %broadcast_in_dim3A_176 = vector.broadcast %broadcast_in_dim3A_175 : vector<1x1024xf32> to vector<16x1024xf32>
        %select_n3A_177 = arith.select %and3A_168, %broadcast_in_dim3A_176, %get3A_154 : vector<16x1024xi1>, vector<16x1024xf32>
        %swap3A_178 = arith.constant 0 : index
        %swap3A_179 = arith.constant 0 : index
        %swap3A_180 = vector.load %arg8[%swap3A_178, %swap3A_179] : memref<16x1024xf32, #tpu.memory_space<vmem>>, vector<16x1024xf32>
        tpu.vector_store %arg8[%swap3A_178, %swap3A_179], %select_n3A_177 {strides = array<i32>} : memref<16x1024xf32, #tpu.memory_space<vmem>>, vector<16x1024xf32>,
      } else {
      }
    } else {
    }
    %get3A_47 = arith.constant 0 : index
    %get3A_48 = memref.load %arg9[%get3A_47] : memref<1xi32, #tpu.memory_space<smem>>
    %gt3A_49 = arith.constant 0 : i32
    %gt3A_50 = arith.cmpi sgt, %get3A_48, %gt3A_49 : i32
    %convert_element_type3A_51 = arith.extui %gt3A_50 : i1 to i32
    %cond3A_52 = arith.constant 0 : i32
    %cond3A_53 = arith.cmpi ne, %convert_element_type3A_51, %cond3A_52 : i32
    scf.if %cond3A_53 {
      %get3A_102 = arith.constant 0 : index
      %get3A_103 = arith.constant 0 : index
      %get3A_104 = vector.load %arg6[%get3A_102, %get3A_103] : memref<1024x1024xf32, #tpu.memory_space<vmem>>, vector<1024x1024xf32>
      %reduce_min3A = arith.constant dense<0x7F800000> : vector<1024xf32>
      %reduce_min3A_105 = vector.multi_reduction <minimumf>, %get3A_104, %reduce_min3A [0] : vector<1024x1024xf32> to vector<1024xf32>
      %broadcast_in_dim3A_106 = vector.shape_cast %reduce_min3A_105 : vector<1024xf32> to vector<1x1024xf32>
      %get3A_107 = arith.constant 0 : index
      %get3A_108 = arith.constant 0 : index
      %get3A_109 = vector.load %arg7[%get3A_107, %get3A_108] : memref<16x1024xf32, #tpu.memory_space<vmem>>, vector<16x1024xf32>
      %reduce_max3A = arith.constant dense<0xFF800000> : vector<1024xf32>
      %reduce_max3A_110 = vector.multi_reduction <maximumf>, %get3A_109, %reduce_max3A [0] : vector<16x1024xf32> to vector<1024xf32>
      %broadcast_in_dim3A_111 = vector.shape_cast %reduce_max3A_110 : vector<1024xf32> to vector<1x1024xf32>
      %lt3A = arith.cmpf olt, %broadcast_in_dim3A_106, %broadcast_in_dim3A_111 : vector<1x1024xf32>
      %convert_element_type3A_112 = arith.extui %lt3A : vector<1x1024xi1> to vector<1x1024xi32>
      %reduce_max3A_113 = vector.shape_cast %convert_element_type3A_112 : vector<1x1024xi32> to vector<1x1x1024xi32>
      %reduce_max3A_114 = arith.constant dense<-2147483648> : vector<1xi32>
      %reduce_max3A_115 = vector.multi_reduction <maxsi>, %reduce_max3A_113, %reduce_max3A_114 [1, 2] : vector<1x1x1024xi32> to vector<1xi32>
      %reduce_max3A_116 = vector.shape_cast %reduce_max3A_115 : vector<1xi32> to vector<1x1x1xi32>
      %reduce_max3A_117 = vector.extract %reduce_max3A_116[0, 0, 0] : i32 from vector<1x1x1xi32>
      %swap3A_118 = arith.constant 0 : index
      %swap3A_119 = memref.load %arg9[%swap3A_118] : memref<1xi32, #tpu.memory_space<smem>>
      memref.store %reduce_max3A_117, %arg9[%swap3A_118] : memref<1xi32, #tpu.memory_space<smem>>
      %get3A_120 = arith.constant 0 : index
      %get3A_121 = memref.load %arg9[%get3A_120] : memref<1xi32, #tpu.memory_space<smem>>
      %gt3A_122 = arith.constant 0 : i32
      %gt3A_123 = arith.cmpi sgt, %get3A_121, %gt3A_122 : i32
      %convert_element_type3A_124 = arith.extui %gt3A_123 : i1 to i32
      %cond3A_125 = arith.constant 0 : i32
      %cond3A_126 = arith.cmpi ne, %convert_element_type3A_124, %cond3A_125 : i32
      scf.if %cond3A_126 {
        %get3A_127 = arith.constant 0 : index
        %get3A_128 = arith.constant 0 : index
        %get3A_129 = vector.load %arg6[%get3A_127, %get3A_128] : memref<1024x1024xf32, #tpu.memory_space<vmem>>, vector<1024x1024xf32>
        %eq3A_130 = vector.broadcast %broadcast_in_dim3A_106 : vector<1x1024xf32> to vector<1024x1024xf32>
        %eq3A_131 = arith.cmpf oeq, %get3A_129, %eq3A_130 : vector<1024x1024xf32>
        %jit3A = arith.constant 0x7F800000 : f32
        %broadcast_in_dim3A_132 = vector.broadcast %jit3A : f32 to vector<1024x1024xf32>
        %select_n3A = arith.select %eq3A_131, %convert_element_type3A_16, %broadcast_in_dim3A_132 : vector<1024x1024xi1>, vector<1024x1024xf32>
        %reduce_min3A_133 = arith.constant dense<0x7F800000> : vector<1024xf32>
        %reduce_min3A_134 = vector.multi_reduction <minimumf>, %select_n3A, %reduce_min3A_133 [0] : vector<1024x1024xf32> to vector<1024xf32>
        %broadcast_in_dim3A_135 = vector.shape_cast %reduce_min3A_134 : vector<1024xf32> to vector<1x1024xf32>
        %eq3A_136 = vector.broadcast %broadcast_in_dim3A_135 : vector<1x1024xf32> to vector<1024x1024xf32>
        %eq3A_137 = arith.cmpf oeq, %select_n3A, %eq3A_136 : vector<1024x1024xf32>
        %jit3A_138 = arith.constant 0x7F800000 : f32
        %broadcast_in_dim3A_139 = vector.broadcast %jit3A_138 : f32 to vector<1024x1024xf32>
        %select_n3A_140 = arith.select %eq3A_137, %broadcast_in_dim3A_139, %get3A_129 : vector<1024x1024xi1>, vector<1024x1024xf32>
        %swap3A_141 = arith.constant 0 : index
        %swap3A_142 = arith.constant 0 : index
        %swap3A_143 = vector.load %arg6[%swap3A_141, %swap3A_142] : memref<1024x1024xf32, #tpu.memory_space<vmem>>, vector<1024x1024xf32>
        tpu.vector_store %arg6[%swap3A_141, %swap3A_142], %select_n3A_140 {strides = array<i32>} : memref<1024x1024xf32, #tpu.memory_space<vmem>>, vector<1024x1024xf32>,
        %mul3A_144 = arith.constant 1024 : i32
        %mul3A_145 = arith.muli %arg0, %mul3A_144 : i32
        %convert_element_type3A_146 = arith.sitofp %mul3A_145 : i32 to f32
        %add3A_147 = vector.broadcast %convert_element_type3A_146 : f32 to vector<1x1024xf32>
        %add3A_148 = arith.addf %broadcast_in_dim3A_135, %add3A_147 : vector<1x1024xf32>
        %get3A_149 = arith.constant 0 : index
        %get3A_150 = arith.constant 0 : index
        %get3A_151 = vector.load %arg7[%get3A_149, %get3A_150] : memref<16x1024xf32, #tpu.memory_space<vmem>>, vector<16x1024xf32>
        %get3A_152 = arith.constant 0 : index
        %get3A_153 = arith.constant 0 : index
        %get3A_154 = vector.load %arg8[%get3A_152, %get3A_153] : memref<16x1024xf32, #tpu.memory_space<vmem>>, vector<16x1024xf32>
        %eq3A_155 = vector.broadcast %broadcast_in_dim3A_111 : vector<1x1024xf32> to vector<16x1024xf32>
        %eq3A_156 = arith.cmpf oeq, %get3A_151, %eq3A_155 : vector<16x1024xf32>
        %jit3A_157 = arith.constant -1.000000e+00 : f32
        %broadcast_in_dim3A_158 = vector.broadcast %jit3A_157 : f32 to vector<16x1024xf32>
        %select_n3A_159 = arith.select %eq3A_156, %get3A_154, %broadcast_in_dim3A_158 : vector<16x1024xi1>, vector<16x1024xf32>
        %reduce_max3A_160 = arith.constant dense<0xFF800000> : vector<1024xf32>
        %reduce_max3A_161 = vector.multi_reduction <maximumf>, %select_n3A_159, %reduce_max3A_160 [0] : vector<16x1024xf32> to vector<1024xf32>
        %broadcast_in_dim3A_162 = vector.shape_cast %reduce_max3A_161 : vector<1024xf32> to vector<1x1024xf32>
        %eq3A_163 = vector.broadcast %broadcast_in_dim3A_111 : vector<1x1024xf32> to vector<16x1024xf32>
        %eq3A_164 = arith.cmpf oeq, %get3A_151, %eq3A_163 : vector<16x1024xf32>
        %and3A = vector.broadcast %lt3A : vector<1x1024xi1> to vector<16x1024xi1>
        %and3A_165 = arith.andi %and3A, %eq3A_164 : vector<16x1024xi1>
        %eq3A_166 = vector.broadcast %broadcast_in_dim3A_162 : vector<1x1024xf32> to vector<16x1024xf32>
        %eq3A_167 = arith.cmpf oeq, %get3A_154, %eq3A_166 : vector<16x1024xf32>
        %and3A_168 = arith.andi %and3A_165, %eq3A_167 : vector<16x1024xi1>
        %broadcast_in_dim3A_169 = vector.shape_cast %broadcast_in_dim3A_106 : vector<1x1024xf32> to vector<1x1024xf32>
        %broadcast_in_dim3A_170 = vector.broadcast %broadcast_in_dim3A_169 : vector<1x1024xf32> to vector<16x1024xf32>
        %select_n3A_171 = arith.select %and3A_168, %broadcast_in_dim3A_170, %get3A_151 : vector<16x1024xi1>, vector<16x1024xf32>
        %swap3A_172 = arith.constant 0 : index
        %swap3A_173 = arith.constant 0 : index
        %swap3A_174 = vector.load %arg7[%swap3A_172, %swap3A_173] : memref<16x1024xf32, #tpu.memory_space<vmem>>, vector<16x1024xf32>
        tpu.vector_store %arg7[%swap3A_172, %swap3A_173], %select_n3A_171 {strides = array<i32>} : memref<16x1024xf32, #tpu.memory_space<vmem>>, vector<16x1024xf32>,
        %broadcast_in_dim3A_175 = vector.shape_cast %add3A_148 : vector<1x1024xf32> to vector<1x1024xf32>
        %broadcast_in_dim3A_176 = vector.broadcast %broadcast_in_dim3A_175 : vector<1x1024xf32> to vector<16x1024xf32>
        %select_n3A_177 = arith.select %and3A_168, %broadcast_in_dim3A_176, %get3A_154 : vector<16x1024xi1>, vector<16x1024xf32>
        %swap3A_178 = arith.constant 0 : index
        %swap3A_179 = arith.constant 0 : index
        %swap3A_180 = vector.load %arg8[%swap3A_178, %swap3A_179] : memref<16x1024xf32, #tpu.memory_space<vmem>>, vector<16x1024xf32>
        tpu.vector_store %arg8[%swap3A_178, %swap3A_179], %select_n3A_177 {strides = array<i32>} : memref<16x1024xf32, #tpu.memory_space<vmem>>, vector<16x1024xf32>,
      } else {
      }
    } else {
    }
    %get3A_54 = arith.constant 0 : index
    %get3A_55 = memref.load %arg9[%get3A_54] : memref<1xi32, #tpu.memory_space<smem>>
    %gt3A_56 = arith.constant 0 : i32
    %gt3A_57 = arith.cmpi sgt, %get3A_55, %gt3A_56 : i32
    %convert_element_type3A_58 = arith.extui %gt3A_57 : i1 to i32
    %cond3A_59 = arith.constant 0 : i32
    %cond3A_60 = arith.cmpi ne, %convert_element_type3A_58, %cond3A_59 : i32
    scf.if %cond3A_60 {
      %get3A_102 = arith.constant 0 : index
      %get3A_103 = arith.constant 0 : index
      %get3A_104 = vector.load %arg6[%get3A_102, %get3A_103] : memref<1024x1024xf32, #tpu.memory_space<vmem>>, vector<1024x1024xf32>
      %reduce_min3A = arith.constant dense<0x7F800000> : vector<1024xf32>
      %reduce_min3A_105 = vector.multi_reduction <minimumf>, %get3A_104, %reduce_min3A [0] : vector<1024x1024xf32> to vector<1024xf32>
      %broadcast_in_dim3A_106 = vector.shape_cast %reduce_min3A_105 : vector<1024xf32> to vector<1x1024xf32>
      %get3A_107 = arith.constant 0 : index
      %get3A_108 = arith.constant 0 : index
      %get3A_109 = vector.load %arg7[%get3A_107, %get3A_108] : memref<16x1024xf32, #tpu.memory_space<vmem>>, vector<16x1024xf32>
      %reduce_max3A = arith.constant dense<0xFF800000> : vector<1024xf32>
      %reduce_max3A_110 = vector.multi_reduction <maximumf>, %get3A_109, %reduce_max3A [0] : vector<16x1024xf32> to vector<1024xf32>
      %broadcast_in_dim3A_111 = vector.shape_cast %reduce_max3A_110 : vector<1024xf32> to vector<1x1024xf32>
      %lt3A = arith.cmpf olt, %broadcast_in_dim3A_106, %broadcast_in_dim3A_111 : vector<1x1024xf32>
      %convert_element_type3A_112 = arith.extui %lt3A : vector<1x1024xi1> to vector<1x1024xi32>
      %reduce_max3A_113 = vector.shape_cast %convert_element_type3A_112 : vector<1x1024xi32> to vector<1x1x1024xi32>
      %reduce_max3A_114 = arith.constant dense<-2147483648> : vector<1xi32>
      %reduce_max3A_115 = vector.multi_reduction <maxsi>, %reduce_max3A_113, %reduce_max3A_114 [1, 2] : vector<1x1x1024xi32> to vector<1xi32>
      %reduce_max3A_116 = vector.shape_cast %reduce_max3A_115 : vector<1xi32> to vector<1x1x1xi32>
      %reduce_max3A_117 = vector.extract %reduce_max3A_116[0, 0, 0] : i32 from vector<1x1x1xi32>
      %swap3A_118 = arith.constant 0 : index
      %swap3A_119 = memref.load %arg9[%swap3A_118] : memref<1xi32, #tpu.memory_space<smem>>
      memref.store %reduce_max3A_117, %arg9[%swap3A_118] : memref<1xi32, #tpu.memory_space<smem>>
      %get3A_120 = arith.constant 0 : index
      %get3A_121 = memref.load %arg9[%get3A_120] : memref<1xi32, #tpu.memory_space<smem>>
      %gt3A_122 = arith.constant 0 : i32
      %gt3A_123 = arith.cmpi sgt, %get3A_121, %gt3A_122 : i32
      %convert_element_type3A_124 = arith.extui %gt3A_123 : i1 to i32
      %cond3A_125 = arith.constant 0 : i32
      %cond3A_126 = arith.cmpi ne, %convert_element_type3A_124, %cond3A_125 : i32
      scf.if %cond3A_126 {
        %get3A_127 = arith.constant 0 : index
        %get3A_128 = arith.constant 0 : index
        %get3A_129 = vector.load %arg6[%get3A_127, %get3A_128] : memref<1024x1024xf32, #tpu.memory_space<vmem>>, vector<1024x1024xf32>
        %eq3A_130 = vector.broadcast %broadcast_in_dim3A_106 : vector<1x1024xf32> to vector<1024x1024xf32>
        %eq3A_131 = arith.cmpf oeq, %get3A_129, %eq3A_130 : vector<1024x1024xf32>
        %jit3A = arith.constant 0x7F800000 : f32
        %broadcast_in_dim3A_132 = vector.broadcast %jit3A : f32 to vector<1024x1024xf32>
        %select_n3A = arith.select %eq3A_131, %convert_element_type3A_16, %broadcast_in_dim3A_132 : vector<1024x1024xi1>, vector<1024x1024xf32>
        %reduce_min3A_133 = arith.constant dense<0x7F800000> : vector<1024xf32>
        %reduce_min3A_134 = vector.multi_reduction <minimumf>, %select_n3A, %reduce_min3A_133 [0] : vector<1024x1024xf32> to vector<1024xf32>
        %broadcast_in_dim3A_135 = vector.shape_cast %reduce_min3A_134 : vector<1024xf32> to vector<1x1024xf32>
        %eq3A_136 = vector.broadcast %broadcast_in_dim3A_135 : vector<1x1024xf32> to vector<1024x1024xf32>
        %eq3A_137 = arith.cmpf oeq, %select_n3A, %eq3A_136 : vector<1024x1024xf32>
        %jit3A_138 = arith.constant 0x7F800000 : f32
        %broadcast_in_dim3A_139 = vector.broadcast %jit3A_138 : f32 to vector<1024x1024xf32>
        %select_n3A_140 = arith.select %eq3A_137, %broadcast_in_dim3A_139, %get3A_129 : vector<1024x1024xi1>, vector<1024x1024xf32>
        %swap3A_141 = arith.constant 0 : index
        %swap3A_142 = arith.constant 0 : index
        %swap3A_143 = vector.load %arg6[%swap3A_141, %swap3A_142] : memref<1024x1024xf32, #tpu.memory_space<vmem>>, vector<1024x1024xf32>
        tpu.vector_store %arg6[%swap3A_141, %swap3A_142], %select_n3A_140 {strides = array<i32>} : memref<1024x1024xf32, #tpu.memory_space<vmem>>, vector<1024x1024xf32>,
        %mul3A_144 = arith.constant 1024 : i32
        %mul3A_145 = arith.muli %arg0, %mul3A_144 : i32
        %convert_element_type3A_146 = arith.sitofp %mul3A_145 : i32 to f32
        %add3A_147 = vector.broadcast %convert_element_type3A_146 : f32 to vector<1x1024xf32>
        %add3A_148 = arith.addf %broadcast_in_dim3A_135, %add3A_147 : vector<1x1024xf32>
        %get3A_149 = arith.constant 0 : index
        %get3A_150 = arith.constant 0 : index
        %get3A_151 = vector.load %arg7[%get3A_149, %get3A_150] : memref<16x1024xf32, #tpu.memory_space<vmem>>, vector<16x1024xf32>
        %get3A_152 = arith.constant 0 : index
        %get3A_153 = arith.constant 0 : index
        %get3A_154 = vector.load %arg8[%get3A_152, %get3A_153] : memref<16x1024xf32, #tpu.memory_space<vmem>>, vector<16x1024xf32>
        %eq3A_155 = vector.broadcast %broadcast_in_dim3A_111 : vector<1x1024xf32> to vector<16x1024xf32>
        %eq3A_156 = arith.cmpf oeq, %get3A_151, %eq3A_155 : vector<16x1024xf32>
        %jit3A_157 = arith.constant -1.000000e+00 : f32
        %broadcast_in_dim3A_158 = vector.broadcast %jit3A_157 : f32 to vector<16x1024xf32>
        %select_n3A_159 = arith.select %eq3A_156, %get3A_154, %broadcast_in_dim3A_158 : vector<16x1024xi1>, vector<16x1024xf32>
        %reduce_max3A_160 = arith.constant dense<0xFF800000> : vector<1024xf32>
        %reduce_max3A_161 = vector.multi_reduction <maximumf>, %select_n3A_159, %reduce_max3A_160 [0] : vector<16x1024xf32> to vector<1024xf32>
        %broadcast_in_dim3A_162 = vector.shape_cast %reduce_max3A_161 : vector<1024xf32> to vector<1x1024xf32>
        %eq3A_163 = vector.broadcast %broadcast_in_dim3A_111 : vector<1x1024xf32> to vector<16x1024xf32>
        %eq3A_164 = arith.cmpf oeq, %get3A_151, %eq3A_163 : vector<16x1024xf32>
        %and3A = vector.broadcast %lt3A : vector<1x1024xi1> to vector<16x1024xi1>
        %and3A_165 = arith.andi %and3A, %eq3A_164 : vector<16x1024xi1>
        %eq3A_166 = vector.broadcast %broadcast_in_dim3A_162 : vector<1x1024xf32> to vector<16x1024xf32>
        %eq3A_167 = arith.cmpf oeq, %get3A_154, %eq3A_166 : vector<16x1024xf32>
        %and3A_168 = arith.andi %and3A_165, %eq3A_167 : vector<16x1024xi1>
        %broadcast_in_dim3A_169 = vector.shape_cast %broadcast_in_dim3A_106 : vector<1x1024xf32> to vector<1x1024xf32>
        %broadcast_in_dim3A_170 = vector.broadcast %broadcast_in_dim3A_169 : vector<1x1024xf32> to vector<16x1024xf32>
        %select_n3A_171 = arith.select %and3A_168, %broadcast_in_dim3A_170, %get3A_151 : vector<16x1024xi1>, vector<16x1024xf32>
        %swap3A_172 = arith.constant 0 : index
        %swap3A_173 = arith.constant 0 : index
        %swap3A_174 = vector.load %arg7[%swap3A_172, %swap3A_173] : memref<16x1024xf32, #tpu.memory_space<vmem>>, vector<16x1024xf32>
        tpu.vector_store %arg7[%swap3A_172, %swap3A_173], %select_n3A_171 {strides = array<i32>} : memref<16x1024xf32, #tpu.memory_space<vmem>>, vector<16x1024xf32>,
        %broadcast_in_dim3A_175 = vector.shape_cast %add3A_148 : vector<1x1024xf32> to vector<1x1024xf32>
        %broadcast_in_dim3A_176 = vector.broadcast %broadcast_in_dim3A_175 : vector<1x1024xf32> to vector<16x1024xf32>
        %select_n3A_177 = arith.select %and3A_168, %broadcast_in_dim3A_176, %get3A_154 : vector<16x1024xi1>, vector<16x1024xf32>
        %swap3A_178 = arith.constant 0 : index
        %swap3A_179 = arith.constant 0 : index
        %swap3A_180 = vector.load %arg8[%swap3A_178, %swap3A_179] : memref<16x1024xf32, #tpu.memory_space<vmem>>, vector<16x1024xf32>
        tpu.vector_store %arg8[%swap3A_178, %swap3A_179], %select_n3A_177 {strides = array<i32>} : memref<16x1024xf32, #tpu.memory_space<vmem>>, vector<16x1024xf32>,
      } else {
      }
    } else {
    }
    %get3A_61 = arith.constant 0 : index
    %get3A_62 = memref.load %arg9[%get3A_61] : memref<1xi32, #tpu.memory_space<smem>>
    %gt3A_63 = arith.constant 0 : i32
    %gt3A_64 = arith.cmpi sgt, %get3A_62, %gt3A_63 : i32
    %convert_element_type3A_65 = arith.extui %gt3A_64 : i1 to i32
    %cond3A_66 = arith.constant 0 : i32
    %cond3A_67 = arith.cmpi ne, %convert_element_type3A_65, %cond3A_66 : i32
    scf.if %cond3A_67 {
      %get3A_102 = arith.constant 0 : index
      %get3A_103 = arith.constant 0 : index
      %get3A_104 = vector.load %arg6[%get3A_102, %get3A_103] : memref<1024x1024xf32, #tpu.memory_space<vmem>>, vector<1024x1024xf32>
      %reduce_min3A = arith.constant dense<0x7F800000> : vector<1024xf32>
      %reduce_min3A_105 = vector.multi_reduction <minimumf>, %get3A_104, %reduce_min3A [0] : vector<1024x1024xf32> to vector<1024xf32>
      %broadcast_in_dim3A_106 = vector.shape_cast %reduce_min3A_105 : vector<1024xf32> to vector<1x1024xf32>
      %get3A_107 = arith.constant 0 : index
      %get3A_108 = arith.constant 0 : index
      %get3A_109 = vector.load %arg7[%get3A_107, %get3A_108] : memref<16x1024xf32, #tpu.memory_space<vmem>>, vector<16x1024xf32>
      %reduce_max3A = arith.constant dense<0xFF800000> : vector<1024xf32>
      %reduce_max3A_110 = vector.multi_reduction <maximumf>, %get3A_109, %reduce_max3A [0] : vector<16x1024xf32> to vector<1024xf32>
      %broadcast_in_dim3A_111 = vector.shape_cast %reduce_max3A_110 : vector<1024xf32> to vector<1x1024xf32>
      %lt3A = arith.cmpf olt, %broadcast_in_dim3A_106, %broadcast_in_dim3A_111 : vector<1x1024xf32>
      %convert_element_type3A_112 = arith.extui %lt3A : vector<1x1024xi1> to vector<1x1024xi32>
      %reduce_max3A_113 = vector.shape_cast %convert_element_type3A_112 : vector<1x1024xi32> to vector<1x1x1024xi32>
      %reduce_max3A_114 = arith.constant dense<-2147483648> : vector<1xi32>
      %reduce_max3A_115 = vector.multi_reduction <maxsi>, %reduce_max3A_113, %reduce_max3A_114 [1, 2] : vector<1x1x1024xi32> to vector<1xi32>
      %reduce_max3A_116 = vector.shape_cast %reduce_max3A_115 : vector<1xi32> to vector<1x1x1xi32>
      %reduce_max3A_117 = vector.extract %reduce_max3A_116[0, 0, 0] : i32 from vector<1x1x1xi32>
      %swap3A_118 = arith.constant 0 : index
      %swap3A_119 = memref.load %arg9[%swap3A_118] : memref<1xi32, #tpu.memory_space<smem>>
      memref.store %reduce_max3A_117, %arg9[%swap3A_118] : memref<1xi32, #tpu.memory_space<smem>>
      %get3A_120 = arith.constant 0 : index
      %get3A_121 = memref.load %arg9[%get3A_120] : memref<1xi32, #tpu.memory_space<smem>>
      %gt3A_122 = arith.constant 0 : i32
      %gt3A_123 = arith.cmpi sgt, %get3A_121, %gt3A_122 : i32
      %convert_element_type3A_124 = arith.extui %gt3A_123 : i1 to i32
      %cond3A_125 = arith.constant 0 : i32
      %cond3A_126 = arith.cmpi ne, %convert_element_type3A_124, %cond3A_125 : i32
      scf.if %cond3A_126 {
        %get3A_127 = arith.constant 0 : index
        %get3A_128 = arith.constant 0 : index
        %get3A_129 = vector.load %arg6[%get3A_127, %get3A_128] : memref<1024x1024xf32, #tpu.memory_space<vmem>>, vector<1024x1024xf32>
        %eq3A_130 = vector.broadcast %broadcast_in_dim3A_106 : vector<1x1024xf32> to vector<1024x1024xf32>
        %eq3A_131 = arith.cmpf oeq, %get3A_129, %eq3A_130 : vector<1024x1024xf32>
        %jit3A = arith.constant 0x7F800000 : f32
        %broadcast_in_dim3A_132 = vector.broadcast %jit3A : f32 to vector<1024x1024xf32>
        %select_n3A = arith.select %eq3A_131, %convert_element_type3A_16, %broadcast_in_dim3A_132 : vector<1024x1024xi1>, vector<1024x1024xf32>
        %reduce_min3A_133 = arith.constant dense<0x7F800000> : vector<1024xf32>
        %reduce_min3A_134 = vector.multi_reduction <minimumf>, %select_n3A, %reduce_min3A_133 [0] : vector<1024x1024xf32> to vector<1024xf32>
        %broadcast_in_dim3A_135 = vector.shape_cast %reduce_min3A_134 : vector<1024xf32> to vector<1x1024xf32>
        %eq3A_136 = vector.broadcast %broadcast_in_dim3A_135 : vector<1x1024xf32> to vector<1024x1024xf32>
        %eq3A_137 = arith.cmpf oeq, %select_n3A, %eq3A_136 : vector<1024x1024xf32>
        %jit3A_138 = arith.constant 0x7F800000 : f32
        %broadcast_in_dim3A_139 = vector.broadcast %jit3A_138 : f32 to vector<1024x1024xf32>
        %select_n3A_140 = arith.select %eq3A_137, %broadcast_in_dim3A_139, %get3A_129 : vector<1024x1024xi1>, vector<1024x1024xf32>
        %swap3A_141 = arith.constant 0 : index
        %swap3A_142 = arith.constant 0 : index
        %swap3A_143 = vector.load %arg6[%swap3A_141, %swap3A_142] : memref<1024x1024xf32, #tpu.memory_space<vmem>>, vector<1024x1024xf32>
        tpu.vector_store %arg6[%swap3A_141, %swap3A_142], %select_n3A_140 {strides = array<i32>} : memref<1024x1024xf32, #tpu.memory_space<vmem>>, vector<1024x1024xf32>,
        %mul3A_144 = arith.constant 1024 : i32
        %mul3A_145 = arith.muli %arg0, %mul3A_144 : i32
        %convert_element_type3A_146 = arith.sitofp %mul3A_145 : i32 to f32
        %add3A_147 = vector.broadcast %convert_element_type3A_146 : f32 to vector<1x1024xf32>
        %add3A_148 = arith.addf %broadcast_in_dim3A_135, %add3A_147 : vector<1x1024xf32>
        %get3A_149 = arith.constant 0 : index
        %get3A_150 = arith.constant 0 : index
        %get3A_151 = vector.load %arg7[%get3A_149, %get3A_150] : memref<16x1024xf32, #tpu.memory_space<vmem>>, vector<16x1024xf32>
        %get3A_152 = arith.constant 0 : index
        %get3A_153 = arith.constant 0 : index
        %get3A_154 = vector.load %arg8[%get3A_152, %get3A_153] : memref<16x1024xf32, #tpu.memory_space<vmem>>, vector<16x1024xf32>
        %eq3A_155 = vector.broadcast %broadcast_in_dim3A_111 : vector<1x1024xf32> to vector<16x1024xf32>
        %eq3A_156 = arith.cmpf oeq, %get3A_151, %eq3A_155 : vector<16x1024xf32>
        %jit3A_157 = arith.constant -1.000000e+00 : f32
        %broadcast_in_dim3A_158 = vector.broadcast %jit3A_157 : f32 to vector<16x1024xf32>
        %select_n3A_159 = arith.select %eq3A_156, %get3A_154, %broadcast_in_dim3A_158 : vector<16x1024xi1>, vector<16x1024xf32>
        %reduce_max3A_160 = arith.constant dense<0xFF800000> : vector<1024xf32>
        %reduce_max3A_161 = vector.multi_reduction <maximumf>, %select_n3A_159, %reduce_max3A_160 [0] : vector<16x1024xf32> to vector<1024xf32>
        %broadcast_in_dim3A_162 = vector.shape_cast %reduce_max3A_161 : vector<1024xf32> to vector<1x1024xf32>
        %eq3A_163 = vector.broadcast %broadcast_in_dim3A_111 : vector<1x1024xf32> to vector<16x1024xf32>
        %eq3A_164 = arith.cmpf oeq, %get3A_151, %eq3A_163 : vector<16x1024xf32>
        %and3A = vector.broadcast %lt3A : vector<1x1024xi1> to vector<16x1024xi1>
        %and3A_165 = arith.andi %and3A, %eq3A_164 : vector<16x1024xi1>
        %eq3A_166 = vector.broadcast %broadcast_in_dim3A_162 : vector<1x1024xf32> to vector<16x1024xf32>
        %eq3A_167 = arith.cmpf oeq, %get3A_154, %eq3A_166 : vector<16x1024xf32>
        %and3A_168 = arith.andi %and3A_165, %eq3A_167 : vector<16x1024xi1>
        %broadcast_in_dim3A_169 = vector.shape_cast %broadcast_in_dim3A_106 : vector<1x1024xf32> to vector<1x1024xf32>
        %broadcast_in_dim3A_170 = vector.broadcast %broadcast_in_dim3A_169 : vector<1x1024xf32> to vector<16x1024xf32>
        %select_n3A_171 = arith.select %and3A_168, %broadcast_in_dim3A_170, %get3A_151 : vector<16x1024xi1>, vector<16x1024xf32>
        %swap3A_172 = arith.constant 0 : index
        %swap3A_173 = arith.constant 0 : index
        %swap3A_174 = vector.load %arg7[%swap3A_172, %swap3A_173] : memref<16x1024xf32, #tpu.memory_space<vmem>>, vector<16x1024xf32>
        tpu.vector_store %arg7[%swap3A_172, %swap3A_173], %select_n3A_171 {strides = array<i32>} : memref<16x1024xf32, #tpu.memory_space<vmem>>, vector<16x1024xf32>,
        %broadcast_in_dim3A_175 = vector.shape_cast %add3A_148 : vector<1x1024xf32> to vector<1x1024xf32>
        %broadcast_in_dim3A_176 = vector.broadcast %broadcast_in_dim3A_175 : vector<1x1024xf32> to vector<16x1024xf32>
        %select_n3A_177 = arith.select %and3A_168, %broadcast_in_dim3A_176, %get3A_154 : vector<16x1024xi1>, vector<16x1024xf32>
        %swap3A_178 = arith.constant 0 : index
        %swap3A_179 = arith.constant 0 : index
        %swap3A_180 = vector.load %arg8[%swap3A_178, %swap3A_179] : memref<16x1024xf32, #tpu.memory_space<vmem>>, vector<16x1024xf32>
        tpu.vector_store %arg8[%swap3A_178, %swap3A_179], %select_n3A_177 {strides = array<i32>} : memref<16x1024xf32, #tpu.memory_space<vmem>>, vector<16x1024xf32>,
      } else {
      }
    } else {
    }
    %get3A_68 = arith.constant 0 : index
    %get3A_69 = memref.load %arg9[%get3A_68] : memref<1xi32, #tpu.memory_space<smem>>
    %gt3A_70 = arith.constant 0 : i32
    %gt3A_71 = arith.cmpi sgt, %get3A_69, %gt3A_70 : i32
    %convert_element_type3A_72 = arith.extui %gt3A_71 : i1 to i32
    %cond3A_73 = arith.constant 0 : i32
    %cond3A_74 = arith.cmpi ne, %convert_element_type3A_72, %cond3A_73 : i32
    scf.if %cond3A_74 {
      %get3A_102 = arith.constant 0 : index
      %get3A_103 = arith.constant 0 : index
      %get3A_104 = vector.load %arg6[%get3A_102, %get3A_103] : memref<1024x1024xf32, #tpu.memory_space<vmem>>, vector<1024x1024xf32>
      %reduce_min3A = arith.constant dense<0x7F800000> : vector<1024xf32>
      %reduce_min3A_105 = vector.multi_reduction <minimumf>, %get3A_104, %reduce_min3A [0] : vector<1024x1024xf32> to vector<1024xf32>
      %broadcast_in_dim3A_106 = vector.shape_cast %reduce_min3A_105 : vector<1024xf32> to vector<1x1024xf32>
      %get3A_107 = arith.constant 0 : index
      %get3A_108 = arith.constant 0 : index
      %get3A_109 = vector.load %arg7[%get3A_107, %get3A_108] : memref<16x1024xf32, #tpu.memory_space<vmem>>, vector<16x1024xf32>
      %reduce_max3A = arith.constant dense<0xFF800000> : vector<1024xf32>
      %reduce_max3A_110 = vector.multi_reduction <maximumf>, %get3A_109, %reduce_max3A [0] : vector<16x1024xf32> to vector<1024xf32>
      %broadcast_in_dim3A_111 = vector.shape_cast %reduce_max3A_110 : vector<1024xf32> to vector<1x1024xf32>
      %lt3A = arith.cmpf olt, %broadcast_in_dim3A_106, %broadcast_in_dim3A_111 : vector<1x1024xf32>
      %convert_element_type3A_112 = arith.extui %lt3A : vector<1x1024xi1> to vector<1x1024xi32>
      %reduce_max3A_113 = vector.shape_cast %convert_element_type3A_112 : vector<1x1024xi32> to vector<1x1x1024xi32>
      %reduce_max3A_114 = arith.constant dense<-2147483648> : vector<1xi32>
      %reduce_max3A_115 = vector.multi_reduction <maxsi>, %reduce_max3A_113, %reduce_max3A_114 [1, 2] : vector<1x1x1024xi32> to vector<1xi32>
      %reduce_max3A_116 = vector.shape_cast %reduce_max3A_115 : vector<1xi32> to vector<1x1x1xi32>
      %reduce_max3A_117 = vector.extract %reduce_max3A_116[0, 0, 0] : i32 from vector<1x1x1xi32>
      %swap3A_118 = arith.constant 0 : index
      %swap3A_119 = memref.load %arg9[%swap3A_118] : memref<1xi32, #tpu.memory_space<smem>>
      memref.store %reduce_max3A_117, %arg9[%swap3A_118] : memref<1xi32, #tpu.memory_space<smem>>
      %get3A_120 = arith.constant 0 : index
      %get3A_121 = memref.load %arg9[%get3A_120] : memref<1xi32, #tpu.memory_space<smem>>
      %gt3A_122 = arith.constant 0 : i32
      %gt3A_123 = arith.cmpi sgt, %get3A_121, %gt3A_122 : i32
      %convert_element_type3A_124 = arith.extui %gt3A_123 : i1 to i32
      %cond3A_125 = arith.constant 0 : i32
      %cond3A_126 = arith.cmpi ne, %convert_element_type3A_124, %cond3A_125 : i32
      scf.if %cond3A_126 {
        %get3A_127 = arith.constant 0 : index
        %get3A_128 = arith.constant 0 : index
        %get3A_129 = vector.load %arg6[%get3A_127, %get3A_128] : memref<1024x1024xf32, #tpu.memory_space<vmem>>, vector<1024x1024xf32>
        %eq3A_130 = vector.broadcast %broadcast_in_dim3A_106 : vector<1x1024xf32> to vector<1024x1024xf32>
        %eq3A_131 = arith.cmpf oeq, %get3A_129, %eq3A_130 : vector<1024x1024xf32>
        %jit3A = arith.constant 0x7F800000 : f32
        %broadcast_in_dim3A_132 = vector.broadcast %jit3A : f32 to vector<1024x1024xf32>
        %select_n3A = arith.select %eq3A_131, %convert_element_type3A_16, %broadcast_in_dim3A_132 : vector<1024x1024xi1>, vector<1024x1024xf32>
        %reduce_min3A_133 = arith.constant dense<0x7F800000> : vector<1024xf32>
        %reduce_min3A_134 = vector.multi_reduction <minimumf>, %select_n3A, %reduce_min3A_133 [0] : vector<1024x1024xf32> to vector<1024xf32>
        %broadcast_in_dim3A_135 = vector.shape_cast %reduce_min3A_134 : vector<1024xf32> to vector<1x1024xf32>
        %eq3A_136 = vector.broadcast %broadcast_in_dim3A_135 : vector<1x1024xf32> to vector<1024x1024xf32>
        %eq3A_137 = arith.cmpf oeq, %select_n3A, %eq3A_136 : vector<1024x1024xf32>
        %jit3A_138 = arith.constant 0x7F800000 : f32
        %broadcast_in_dim3A_139 = vector.broadcast %jit3A_138 : f32 to vector<1024x1024xf32>
        %select_n3A_140 = arith.select %eq3A_137, %broadcast_in_dim3A_139, %get3A_129 : vector<1024x1024xi1>, vector<1024x1024xf32>
        %swap3A_141 = arith.constant 0 : index
        %swap3A_142 = arith.constant 0 : index
        %swap3A_143 = vector.load %arg6[%swap3A_141, %swap3A_142] : memref<1024x1024xf32, #tpu.memory_space<vmem>>, vector<1024x1024xf32>
        tpu.vector_store %arg6[%swap3A_141, %swap3A_142], %select_n3A_140 {strides = array<i32>} : memref<1024x1024xf32, #tpu.memory_space<vmem>>, vector<1024x1024xf32>,
        %mul3A_144 = arith.constant 1024 : i32
        %mul3A_145 = arith.muli %arg0, %mul3A_144 : i32
        %convert_element_type3A_146 = arith.sitofp %mul3A_145 : i32 to f32
        %add3A_147 = vector.broadcast %convert_element_type3A_146 : f32 to vector<1x1024xf32>
        %add3A_148 = arith.addf %broadcast_in_dim3A_135, %add3A_147 : vector<1x1024xf32>
        %get3A_149 = arith.constant 0 : index
        %get3A_150 = arith.constant 0 : index
        %get3A_151 = vector.load %arg7[%get3A_149, %get3A_150] : memref<16x1024xf32, #tpu.memory_space<vmem>>, vector<16x1024xf32>
        %get3A_152 = arith.constant 0 : index
        %get3A_153 = arith.constant 0 : index
        %get3A_154 = vector.load %arg8[%get3A_152, %get3A_153] : memref<16x1024xf32, #tpu.memory_space<vmem>>, vector<16x1024xf32>
        %eq3A_155 = vector.broadcast %broadcast_in_dim3A_111 : vector<1x1024xf32> to vector<16x1024xf32>
        %eq3A_156 = arith.cmpf oeq, %get3A_151, %eq3A_155 : vector<16x1024xf32>
        %jit3A_157 = arith.constant -1.000000e+00 : f32
        %broadcast_in_dim3A_158 = vector.broadcast %jit3A_157 : f32 to vector<16x1024xf32>
        %select_n3A_159 = arith.select %eq3A_156, %get3A_154, %broadcast_in_dim3A_158 : vector<16x1024xi1>, vector<16x1024xf32>
        %reduce_max3A_160 = arith.constant dense<0xFF800000> : vector<1024xf32>
        %reduce_max3A_161 = vector.multi_reduction <maximumf>, %select_n3A_159, %reduce_max3A_160 [0] : vector<16x1024xf32> to vector<1024xf32>
        %broadcast_in_dim3A_162 = vector.shape_cast %reduce_max3A_161 : vector<1024xf32> to vector<1x1024xf32>
        %eq3A_163 = vector.broadcast %broadcast_in_dim3A_111 : vector<1x1024xf32> to vector<16x1024xf32>
        %eq3A_164 = arith.cmpf oeq, %get3A_151, %eq3A_163 : vector<16x1024xf32>
        %and3A = vector.broadcast %lt3A : vector<1x1024xi1> to vector<16x1024xi1>
        %and3A_165 = arith.andi %and3A, %eq3A_164 : vector<16x1024xi1>
        %eq3A_166 = vector.broadcast %broadcast_in_dim3A_162 : vector<1x1024xf32> to vector<16x1024xf32>
        %eq3A_167 = arith.cmpf oeq, %get3A_154, %eq3A_166 : vector<16x1024xf32>
        %and3A_168 = arith.andi %and3A_165, %eq3A_167 : vector<16x1024xi1>
        %broadcast_in_dim3A_169 = vector.shape_cast %broadcast_in_dim3A_106 : vector<1x1024xf32> to vector<1x1024xf32>
        %broadcast_in_dim3A_170 = vector.broadcast %broadcast_in_dim3A_169 : vector<1x1024xf32> to vector<16x1024xf32>
        %select_n3A_171 = arith.select %and3A_168, %broadcast_in_dim3A_170, %get3A_151 : vector<16x1024xi1>, vector<16x1024xf32>
        %swap3A_172 = arith.constant 0 : index
        %swap3A_173 = arith.constant 0 : index
        %swap3A_174 = vector.load %arg7[%swap3A_172, %swap3A_173] : memref<16x1024xf32, #tpu.memory_space<vmem>>, vector<16x1024xf32>
        tpu.vector_store %arg7[%swap3A_172, %swap3A_173], %select_n3A_171 {strides = array<i32>} : memref<16x1024xf32, #tpu.memory_space<vmem>>, vector<16x1024xf32>,
        %broadcast_in_dim3A_175 = vector.shape_cast %add3A_148 : vector<1x1024xf32> to vector<1x1024xf32>
        %broadcast_in_dim3A_176 = vector.broadcast %broadcast_in_dim3A_175 : vector<1x1024xf32> to vector<16x1024xf32>
        %select_n3A_177 = arith.select %and3A_168, %broadcast_in_dim3A_176, %get3A_154 : vector<16x1024xi1>, vector<16x1024xf32>
        %swap3A_178 = arith.constant 0 : index
        %swap3A_179 = arith.constant 0 : index
        %swap3A_180 = vector.load %arg8[%swap3A_178, %swap3A_179] : memref<16x1024xf32, #tpu.memory_space<vmem>>, vector<16x1024xf32>
        tpu.vector_store %arg8[%swap3A_178, %swap3A_179], %select_n3A_177 {strides = array<i32>} : memref<16x1024xf32, #tpu.memory_space<vmem>>, vector<16x1024xf32>,
      } else {
      }
    } else {
    }
    %get3A_75 = arith.constant 0 : index
    %get3A_76 = memref.load %arg9[%get3A_75] : memref<1xi32, #tpu.memory_space<smem>>
    %gt3A_77 = arith.constant 0 : i32
    %gt3A_78 = arith.cmpi sgt, %get3A_76, %gt3A_77 : i32
    %convert_element_type3A_79 = arith.extui %gt3A_78 : i1 to i32
    %cond3A_80 = arith.constant 0 : i32
    %cond3A_81 = arith.cmpi ne, %convert_element_type3A_79, %cond3A_80 : i32
    scf.if %cond3A_81 {
      %get3A_102 = arith.constant 0 : index
      %get3A_103 = arith.constant 0 : index
      %get3A_104 = vector.load %arg6[%get3A_102, %get3A_103] : memref<1024x1024xf32, #tpu.memory_space<vmem>>, vector<1024x1024xf32>
      %reduce_min3A = arith.constant dense<0x7F800000> : vector<1024xf32>
      %reduce_min3A_105 = vector.multi_reduction <minimumf>, %get3A_104, %reduce_min3A [0] : vector<1024x1024xf32> to vector<1024xf32>
      %broadcast_in_dim3A_106 = vector.shape_cast %reduce_min3A_105 : vector<1024xf32> to vector<1x1024xf32>
      %get3A_107 = arith.constant 0 : index
      %get3A_108 = arith.constant 0 : index
      %get3A_109 = vector.load %arg7[%get3A_107, %get3A_108] : memref<16x1024xf32, #tpu.memory_space<vmem>>, vector<16x1024xf32>
      %reduce_max3A = arith.constant dense<0xFF800000> : vector<1024xf32>
      %reduce_max3A_110 = vector.multi_reduction <maximumf>, %get3A_109, %reduce_max3A [0] : vector<16x1024xf32> to vector<1024xf32>
      %broadcast_in_dim3A_111 = vector.shape_cast %reduce_max3A_110 : vector<1024xf32> to vector<1x1024xf32>
      %lt3A = arith.cmpf olt, %broadcast_in_dim3A_106, %broadcast_in_dim3A_111 : vector<1x1024xf32>
      %convert_element_type3A_112 = arith.extui %lt3A : vector<1x1024xi1> to vector<1x1024xi32>
      %reduce_max3A_113 = vector.shape_cast %convert_element_type3A_112 : vector<1x1024xi32> to vector<1x1x1024xi32>
      %reduce_max3A_114 = arith.constant dense<-2147483648> : vector<1xi32>
      %reduce_max3A_115 = vector.multi_reduction <maxsi>, %reduce_max3A_113, %reduce_max3A_114 [1, 2] : vector<1x1x1024xi32> to vector<1xi32>
      %reduce_max3A_116 = vector.shape_cast %reduce_max3A_115 : vector<1xi32> to vector<1x1x1xi32>
      %reduce_max3A_117 = vector.extract %reduce_max3A_116[0, 0, 0] : i32 from vector<1x1x1xi32>
      %swap3A_118 = arith.constant 0 : index
      %swap3A_119 = memref.load %arg9[%swap3A_118] : memref<1xi32, #tpu.memory_space<smem>>
      memref.store %reduce_max3A_117, %arg9[%swap3A_118] : memref<1xi32, #tpu.memory_space<smem>>
      %get3A_120 = arith.constant 0 : index
      %get3A_121 = memref.load %arg9[%get3A_120] : memref<1xi32, #tpu.memory_space<smem>>
      %gt3A_122 = arith.constant 0 : i32
      %gt3A_123 = arith.cmpi sgt, %get3A_121, %gt3A_122 : i32
      %convert_element_type3A_124 = arith.extui %gt3A_123 : i1 to i32
      %cond3A_125 = arith.constant 0 : i32
      %cond3A_126 = arith.cmpi ne, %convert_element_type3A_124, %cond3A_125 : i32
      scf.if %cond3A_126 {
        %get3A_127 = arith.constant 0 : index
        %get3A_128 = arith.constant 0 : index
        %get3A_129 = vector.load %arg6[%get3A_127, %get3A_128] : memref<1024x1024xf32, #tpu.memory_space<vmem>>, vector<1024x1024xf32>
        %eq3A_130 = vector.broadcast %broadcast_in_dim3A_106 : vector<1x1024xf32> to vector<1024x1024xf32>
        %eq3A_131 = arith.cmpf oeq, %get3A_129, %eq3A_130 : vector<1024x1024xf32>
        %jit3A = arith.constant 0x7F800000 : f32
        %broadcast_in_dim3A_132 = vector.broadcast %jit3A : f32 to vector<1024x1024xf32>
        %select_n3A = arith.select %eq3A_131, %convert_element_type3A_16, %broadcast_in_dim3A_132 : vector<1024x1024xi1>, vector<1024x1024xf32>
        %reduce_min3A_133 = arith.constant dense<0x7F800000> : vector<1024xf32>
        %reduce_min3A_134 = vector.multi_reduction <minimumf>, %select_n3A, %reduce_min3A_133 [0] : vector<1024x1024xf32> to vector<1024xf32>
        %broadcast_in_dim3A_135 = vector.shape_cast %reduce_min3A_134 : vector<1024xf32> to vector<1x1024xf32>
        %eq3A_136 = vector.broadcast %broadcast_in_dim3A_135 : vector<1x1024xf32> to vector<1024x1024xf32>
        %eq3A_137 = arith.cmpf oeq, %select_n3A, %eq3A_136 : vector<1024x1024xf32>
        %jit3A_138 = arith.constant 0x7F800000 : f32
        %broadcast_in_dim3A_139 = vector.broadcast %jit3A_138 : f32 to vector<1024x1024xf32>
        %select_n3A_140 = arith.select %eq3A_137, %broadcast_in_dim3A_139, %get3A_129 : vector<1024x1024xi1>, vector<1024x1024xf32>
        %swap3A_141 = arith.constant 0 : index
        %swap3A_142 = arith.constant 0 : index
        %swap3A_143 = vector.load %arg6[%swap3A_141, %swap3A_142] : memref<1024x1024xf32, #tpu.memory_space<vmem>>, vector<1024x1024xf32>
        tpu.vector_store %arg6[%swap3A_141, %swap3A_142], %select_n3A_140 {strides = array<i32>} : memref<1024x1024xf32, #tpu.memory_space<vmem>>, vector<1024x1024xf32>,
        %mul3A_144 = arith.constant 1024 : i32
        %mul3A_145 = arith.muli %arg0, %mul3A_144 : i32
        %convert_element_type3A_146 = arith.sitofp %mul3A_145 : i32 to f32
        %add3A_147 = vector.broadcast %convert_element_type3A_146 : f32 to vector<1x1024xf32>
        %add3A_148 = arith.addf %broadcast_in_dim3A_135, %add3A_147 : vector<1x1024xf32>
        %get3A_149 = arith.constant 0 : index
        %get3A_150 = arith.constant 0 : index
        %get3A_151 = vector.load %arg7[%get3A_149, %get3A_150] : memref<16x1024xf32, #tpu.memory_space<vmem>>, vector<16x1024xf32>
        %get3A_152 = arith.constant 0 : index
        %get3A_153 = arith.constant 0 : index
        %get3A_154 = vector.load %arg8[%get3A_152, %get3A_153] : memref<16x1024xf32, #tpu.memory_space<vmem>>, vector<16x1024xf32>
        %eq3A_155 = vector.broadcast %broadcast_in_dim3A_111 : vector<1x1024xf32> to vector<16x1024xf32>
        %eq3A_156 = arith.cmpf oeq, %get3A_151, %eq3A_155 : vector<16x1024xf32>
        %jit3A_157 = arith.constant -1.000000e+00 : f32
        %broadcast_in_dim3A_158 = vector.broadcast %jit3A_157 : f32 to vector<16x1024xf32>
        %select_n3A_159 = arith.select %eq3A_156, %get3A_154, %broadcast_in_dim3A_158 : vector<16x1024xi1>, vector<16x1024xf32>
        %reduce_max3A_160 = arith.constant dense<0xFF800000> : vector<1024xf32>
        %reduce_max3A_161 = vector.multi_reduction <maximumf>, %select_n3A_159, %reduce_max3A_160 [0] : vector<16x1024xf32> to vector<1024xf32>
        %broadcast_in_dim3A_162 = vector.shape_cast %reduce_max3A_161 : vector<1024xf32> to vector<1x1024xf32>
        %eq3A_163 = vector.broadcast %broadcast_in_dim3A_111 : vector<1x1024xf32> to vector<16x1024xf32>
        %eq3A_164 = arith.cmpf oeq, %get3A_151, %eq3A_163 : vector<16x1024xf32>
        %and3A = vector.broadcast %lt3A : vector<1x1024xi1> to vector<16x1024xi1>
        %and3A_165 = arith.andi %and3A, %eq3A_164 : vector<16x1024xi1>
        %eq3A_166 = vector.broadcast %broadcast_in_dim3A_162 : vector<1x1024xf32> to vector<16x1024xf32>
        %eq3A_167 = arith.cmpf oeq, %get3A_154, %eq3A_166 : vector<16x1024xf32>
        %and3A_168 = arith.andi %and3A_165, %eq3A_167 : vector<16x1024xi1>
        %broadcast_in_dim3A_169 = vector.shape_cast %broadcast_in_dim3A_106 : vector<1x1024xf32> to vector<1x1024xf32>
        %broadcast_in_dim3A_170 = vector.broadcast %broadcast_in_dim3A_169 : vector<1x1024xf32> to vector<16x1024xf32>
        %select_n3A_171 = arith.select %and3A_168, %broadcast_in_dim3A_170, %get3A_151 : vector<16x1024xi1>, vector<16x1024xf32>
        %swap3A_172 = arith.constant 0 : index
        %swap3A_173 = arith.constant 0 : index
        %swap3A_174 = vector.load %arg7[%swap3A_172, %swap3A_173] : memref<16x1024xf32, #tpu.memory_space<vmem>>, vector<16x1024xf32>
        tpu.vector_store %arg7[%swap3A_172, %swap3A_173], %select_n3A_171 {strides = array<i32>} : memref<16x1024xf32, #tpu.memory_space<vmem>>, vector<16x1024xf32>,
        %broadcast_in_dim3A_175 = vector.shape_cast %add3A_148 : vector<1x1024xf32> to vector<1x1024xf32>
        %broadcast_in_dim3A_176 = vector.broadcast %broadcast_in_dim3A_175 : vector<1x1024xf32> to vector<16x1024xf32>
        %select_n3A_177 = arith.select %and3A_168, %broadcast_in_dim3A_176, %get3A_154 : vector<16x1024xi1>, vector<16x1024xf32>
        %swap3A_178 = arith.constant 0 : index
        %swap3A_179 = arith.constant 0 : index
        %swap3A_180 = vector.load %arg8[%swap3A_178, %swap3A_179] : memref<16x1024xf32, #tpu.memory_space<vmem>>, vector<16x1024xf32>
        tpu.vector_store %arg8[%swap3A_178, %swap3A_179], %select_n3A_177 {strides = array<i32>} : memref<16x1024xf32, #tpu.memory_space<vmem>>, vector<16x1024xf32>,
      } else {
      }
    } else {
    }
    %get3A_82 = arith.constant 0 : index
    %get3A_83 = memref.load %arg9[%get3A_82] : memref<1xi32, #tpu.memory_space<smem>>
    %gt3A_84 = arith.constant 0 : i32
    %gt3A_85 = arith.cmpi sgt, %get3A_83, %gt3A_84 : i32
    %convert_element_type3A_86 = arith.extui %gt3A_85 : i1 to i32
    %cond3A_87 = arith.constant 0 : i32
    %cond3A_88 = arith.cmpi ne, %convert_element_type3A_86, %cond3A_87 : i32
    scf.if %cond3A_88 {
      %get3A_102 = arith.constant 0 : index
      %get3A_103 = arith.constant 0 : index
      %get3A_104 = vector.load %arg6[%get3A_102, %get3A_103] : memref<1024x1024xf32, #tpu.memory_space<vmem>>, vector<1024x1024xf32>
      %reduce_min3A = arith.constant dense<0x7F800000> : vector<1024xf32>
      %reduce_min3A_105 = vector.multi_reduction <minimumf>, %get3A_104, %reduce_min3A [0] : vector<1024x1024xf32> to vector<1024xf32>
      %broadcast_in_dim3A_106 = vector.shape_cast %reduce_min3A_105 : vector<1024xf32> to vector<1x1024xf32>
      %get3A_107 = arith.constant 0 : index
      %get3A_108 = arith.constant 0 : index
      %get3A_109 = vector.load %arg7[%get3A_107, %get3A_108] : memref<16x1024xf32, #tpu.memory_space<vmem>>, vector<16x1024xf32>
      %reduce_max3A = arith.constant dense<0xFF800000> : vector<1024xf32>
      %reduce_max3A_110 = vector.multi_reduction <maximumf>, %get3A_109, %reduce_max3A [0] : vector<16x1024xf32> to vector<1024xf32>
      %broadcast_in_dim3A_111 = vector.shape_cast %reduce_max3A_110 : vector<1024xf32> to vector<1x1024xf32>
      %lt3A = arith.cmpf olt, %broadcast_in_dim3A_106, %broadcast_in_dim3A_111 : vector<1x1024xf32>
      %convert_element_type3A_112 = arith.extui %lt3A : vector<1x1024xi1> to vector<1x1024xi32>
      %reduce_max3A_113 = vector.shape_cast %convert_element_type3A_112 : vector<1x1024xi32> to vector<1x1x1024xi32>
      %reduce_max3A_114 = arith.constant dense<-2147483648> : vector<1xi32>
      %reduce_max3A_115 = vector.multi_reduction <maxsi>, %reduce_max3A_113, %reduce_max3A_114 [1, 2] : vector<1x1x1024xi32> to vector<1xi32>
      %reduce_max3A_116 = vector.shape_cast %reduce_max3A_115 : vector<1xi32> to vector<1x1x1xi32>
      %reduce_max3A_117 = vector.extract %reduce_max3A_116[0, 0, 0] : i32 from vector<1x1x1xi32>
      %swap3A_118 = arith.constant 0 : index
      %swap3A_119 = memref.load %arg9[%swap3A_118] : memref<1xi32, #tpu.memory_space<smem>>
      memref.store %reduce_max3A_117, %arg9[%swap3A_118] : memref<1xi32, #tpu.memory_space<smem>>
      %get3A_120 = arith.constant 0 : index
      %get3A_121 = memref.load %arg9[%get3A_120] : memref<1xi32, #tpu.memory_space<smem>>
      %gt3A_122 = arith.constant 0 : i32
      %gt3A_123 = arith.cmpi sgt, %get3A_121, %gt3A_122 : i32
      %convert_element_type3A_124 = arith.extui %gt3A_123 : i1 to i32
      %cond3A_125 = arith.constant 0 : i32
      %cond3A_126 = arith.cmpi ne, %convert_element_type3A_124, %cond3A_125 : i32
      scf.if %cond3A_126 {
        %get3A_127 = arith.constant 0 : index
        %get3A_128 = arith.constant 0 : index
        %get3A_129 = vector.load %arg6[%get3A_127, %get3A_128] : memref<1024x1024xf32, #tpu.memory_space<vmem>>, vector<1024x1024xf32>
        %eq3A_130 = vector.broadcast %broadcast_in_dim3A_106 : vector<1x1024xf32> to vector<1024x1024xf32>
        %eq3A_131 = arith.cmpf oeq, %get3A_129, %eq3A_130 : vector<1024x1024xf32>
        %jit3A = arith.constant 0x7F800000 : f32
        %broadcast_in_dim3A_132 = vector.broadcast %jit3A : f32 to vector<1024x1024xf32>
        %select_n3A = arith.select %eq3A_131, %convert_element_type3A_16, %broadcast_in_dim3A_132 : vector<1024x1024xi1>, vector<1024x1024xf32>
        %reduce_min3A_133 = arith.constant dense<0x7F800000> : vector<1024xf32>
        %reduce_min3A_134 = vector.multi_reduction <minimumf>, %select_n3A, %reduce_min3A_133 [0] : vector<1024x1024xf32> to vector<1024xf32>
        %broadcast_in_dim3A_135 = vector.shape_cast %reduce_min3A_134 : vector<1024xf32> to vector<1x1024xf32>
        %eq3A_136 = vector.broadcast %broadcast_in_dim3A_135 : vector<1x1024xf32> to vector<1024x1024xf32>
        %eq3A_137 = arith.cmpf oeq, %select_n3A, %eq3A_136 : vector<1024x1024xf32>
        %jit3A_138 = arith.constant 0x7F800000 : f32
        %broadcast_in_dim3A_139 = vector.broadcast %jit3A_138 : f32 to vector<1024x1024xf32>
        %select_n3A_140 = arith.select %eq3A_137, %broadcast_in_dim3A_139, %get3A_129 : vector<1024x1024xi1>, vector<1024x1024xf32>
        %swap3A_141 = arith.constant 0 : index
        %swap3A_142 = arith.constant 0 : index
        %swap3A_143 = vector.load %arg6[%swap3A_141, %swap3A_142] : memref<1024x1024xf32, #tpu.memory_space<vmem>>, vector<1024x1024xf32>
        tpu.vector_store %arg6[%swap3A_141, %swap3A_142], %select_n3A_140 {strides = array<i32>} : memref<1024x1024xf32, #tpu.memory_space<vmem>>, vector<1024x1024xf32>,
        %mul3A_144 = arith.constant 1024 : i32
        %mul3A_145 = arith.muli %arg0, %mul3A_144 : i32
        %convert_element_type3A_146 = arith.sitofp %mul3A_145 : i32 to f32
        %add3A_147 = vector.broadcast %convert_element_type3A_146 : f32 to vector<1x1024xf32>
        %add3A_148 = arith.addf %broadcast_in_dim3A_135, %add3A_147 : vector<1x1024xf32>
        %get3A_149 = arith.constant 0 : index
        %get3A_150 = arith.constant 0 : index
        %get3A_151 = vector.load %arg7[%get3A_149, %get3A_150] : memref<16x1024xf32, #tpu.memory_space<vmem>>, vector<16x1024xf32>
        %get3A_152 = arith.constant 0 : index
        %get3A_153 = arith.constant 0 : index
        %get3A_154 = vector.load %arg8[%get3A_152, %get3A_153] : memref<16x1024xf32, #tpu.memory_space<vmem>>, vector<16x1024xf32>
        %eq3A_155 = vector.broadcast %broadcast_in_dim3A_111 : vector<1x1024xf32> to vector<16x1024xf32>
        %eq3A_156 = arith.cmpf oeq, %get3A_151, %eq3A_155 : vector<16x1024xf32>
        %jit3A_157 = arith.constant -1.000000e+00 : f32
        %broadcast_in_dim3A_158 = vector.broadcast %jit3A_157 : f32 to vector<16x1024xf32>
        %select_n3A_159 = arith.select %eq3A_156, %get3A_154, %broadcast_in_dim3A_158 : vector<16x1024xi1>, vector<16x1024xf32>
        %reduce_max3A_160 = arith.constant dense<0xFF800000> : vector<1024xf32>
        %reduce_max3A_161 = vector.multi_reduction <maximumf>, %select_n3A_159, %reduce_max3A_160 [0] : vector<16x1024xf32> to vector<1024xf32>
        %broadcast_in_dim3A_162 = vector.shape_cast %reduce_max3A_161 : vector<1024xf32> to vector<1x1024xf32>
        %eq3A_163 = vector.broadcast %broadcast_in_dim3A_111 : vector<1x1024xf32> to vector<16x1024xf32>
        %eq3A_164 = arith.cmpf oeq, %get3A_151, %eq3A_163 : vector<16x1024xf32>
        %and3A = vector.broadcast %lt3A : vector<1x1024xi1> to vector<16x1024xi1>
        %and3A_165 = arith.andi %and3A, %eq3A_164 : vector<16x1024xi1>
        %eq3A_166 = vector.broadcast %broadcast_in_dim3A_162 : vector<1x1024xf32> to vector<16x1024xf32>
        %eq3A_167 = arith.cmpf oeq, %get3A_154, %eq3A_166 : vector<16x1024xf32>
        %and3A_168 = arith.andi %and3A_165, %eq3A_167 : vector<16x1024xi1>
        %broadcast_in_dim3A_169 = vector.shape_cast %broadcast_in_dim3A_106 : vector<1x1024xf32> to vector<1x1024xf32>
        %broadcast_in_dim3A_170 = vector.broadcast %broadcast_in_dim3A_169 : vector<1x1024xf32> to vector<16x1024xf32>
        %select_n3A_171 = arith.select %and3A_168, %broadcast_in_dim3A_170, %get3A_151 : vector<16x1024xi1>, vector<16x1024xf32>
        %swap3A_172 = arith.constant 0 : index
        %swap3A_173 = arith.constant 0 : index
        %swap3A_174 = vector.load %arg7[%swap3A_172, %swap3A_173] : memref<16x1024xf32, #tpu.memory_space<vmem>>, vector<16x1024xf32>
        tpu.vector_store %arg7[%swap3A_172, %swap3A_173], %select_n3A_171 {strides = array<i32>} : memref<16x1024xf32, #tpu.memory_space<vmem>>, vector<16x1024xf32>,
        %broadcast_in_dim3A_175 = vector.shape_cast %add3A_148 : vector<1x1024xf32> to vector<1x1024xf32>
        %broadcast_in_dim3A_176 = vector.broadcast %broadcast_in_dim3A_175 : vector<1x1024xf32> to vector<16x1024xf32>
        %select_n3A_177 = arith.select %and3A_168, %broadcast_in_dim3A_176, %get3A_154 : vector<16x1024xi1>, vector<16x1024xf32>
        %swap3A_178 = arith.constant 0 : index
        %swap3A_179 = arith.constant 0 : index
        %swap3A_180 = vector.load %arg8[%swap3A_178, %swap3A_179] : memref<16x1024xf32, #tpu.memory_space<vmem>>, vector<16x1024xf32>
        tpu.vector_store %arg8[%swap3A_178, %swap3A_179], %select_n3A_177 {strides = array<i32>} : memref<16x1024xf32, #tpu.memory_space<vmem>>, vector<16x1024xf32>,
      } else {
      }
    } else {
    }
    %get3A_89 = arith.constant 0 : index
    %get3A_90 = arith.constant 0 : index
    %get3A_91 = vector.load %arg7[%get3A_89, %get3A_90] : memref<16x1024xf32, #tpu.memory_space<vmem>>, vector<16x1024xf32>
    %swap3A_92 = arith.constant 0 : index
    %swap3A_93 = arith.constant 0 : index
    %swap3A_94 = vector.load %arg3[%swap3A_92, %swap3A_93] : memref<16x1024xf32, #tpu.memory_space<vmem>>, vector<16x1024xf32>
    tpu.vector_store %arg3[%swap3A_92, %swap3A_93], %get3A_91 {strides = array<i32>} : memref<16x1024xf32, #tpu.memory_space<vmem>>, vector<16x1024xf32>,
    %get3A_95 = arith.constant 0 : index
    %get3A_96 = arith.constant 0 : index
    %get3A_97 = vector.load %arg8[%get3A_95, %get3A_96] : memref<16x1024xf32, #tpu.memory_space<vmem>>, vector<16x1024xf32>
    %convert_element_type3A_98 = arith.fptosi %get3A_97 : vector<16x1024xf32> to vector<16x1024xi32>
    %swap3A_99 = arith.constant 0 : index
    %swap3A_100 = arith.constant 0 : index
    %swap3A_101 = vector.load %arg4[%swap3A_99, %swap3A_100] : memref<16x1024xi32, #tpu.memory_space<vmem>>, vector<16x1024xi32>
    tpu.vector_store %arg4[%swap3A_99, %swap3A_100], %convert_element_type3A_98 {strides = array<i32>} : memref<16x1024xi32, #tpu.memory_space<vmem>>, vector<16x1024xi32>,
    return
  }
  func.func @transform_0(%arg0: i32) -> (i32, i32) {
    %c0_i32 = arith.constant 0 : i32
    %c0_i32_0 = arith.constant 0 : i32
    %c0_i32_1 = arith.constant 0 : i32
    return %c0_i32, %c0_i32_0 : i32, i32
  }
  func.func @transform_1(%arg0: i32) -> (i32, i32) {
    %c0_i32 = arith.constant 0 : i32
    %c0_i32_0 = arith.constant 0 : i32
    return %arg0, %c0_i32 : i32, i32
  }
  func.func @transform_2(%arg0: i32) -> (i32, i32) {
    %c0_i32 = arith.constant 0 : i32
    %c0_i32_0 = arith.constant 0 : i32
    %c0_i32_1 = arith.constant 0 : i32
    return %c0_i32, %c0_i32_0 : i32, i32
  }
  func.func @transform_3(%arg0: i32) -> (i32, i32) {
    %c0_i32 = arith.constant 0 : i32
    %c0_i32_0 = arith.constant 0 : i32
    %c0_i32_1 = arith.constant 0 : i32
    return %c0_i32, %c0_i32_0 : i32, i32
  }
}

module attributes {stable_mosaic.version = 14 : i64} {
  func.func @_combine_body(%arg0: memref<1024x1280xf32, #tpu.memory_space<vmem>>, %arg1: memref<1024x10xf32, #tpu.memory_space<vmem>>, %arg2: memref<1024x128xf32, #tpu.memory_space<vmem>>, %arg3: memref<1024x128xf32, #tpu.memory_space<vmem>>, %arg4: memref<1024x10xi32, #tpu.memory_space<vmem>>) attributes {dimension_semantics = [], scalar_prefetch = 0 : i64, scratch_operands = 0 : i64, tpu.core_type = #tpu.core_type<tc>} {
    %get3A = arith.constant 0 : index
    %get3A_0 = arith.constant 0 : index
    %get3A_1 = vector.load %arg1[%get3A, %get3A_0] : memref<1024x10xf32, #tpu.memory_space<vmem>>, vector<1024x10xf32>
    %add3A = arith.constant 1.1920929E-7 : f32
    %add3A_2 = vector.broadcast %add3A : f32 to vector<1024x10xf32>
    %add3A_3 = arith.addf %get3A_1, %add3A_2 : vector<1024x10xf32>
    %div3A = arith.constant 1.000000e+00 : f32
    %div3A_4 = vector.broadcast %div3A : f32 to vector<1024x10xf32>
    %div3A_5 = arith.divf %div3A_4, %add3A_3 : vector<1024x10xf32>
    %slice3A = vector.extract_strided_slice %div3A_5 {offsets = [0, 0], sizes = [1024, 1], strides = [1, 1]} : vector<1024x10xf32> to vector<1024x1xf32>
    %get3A_6 = arith.constant 0 : index
    %get3A_7 = arith.constant 0 : index
    %get3A_8 = vector.load %arg0[%get3A_6, %get3A_7] : memref<1024x1280xf32, #tpu.memory_space<vmem>>, vector<1024x128xf32>
    %mul3A = vector.broadcast %slice3A : vector<1024x1xf32> to vector<1024x128xf32>
    %mul3A_9 = arith.mulf %mul3A, %get3A_8 : vector<1024x128xf32>
    %slice3A_10 = vector.extract_strided_slice %div3A_5 {offsets = [0, 1], sizes = [1024, 1], strides = [1, 1]} : vector<1024x10xf32> to vector<1024x1xf32>
    %get3A_11 = arith.constant 0 : index
    %get3A_12 = arith.constant 128 : index
    %get3A_13 = vector.load %arg0[%get3A_11, %get3A_12] : memref<1024x1280xf32, #tpu.memory_space<vmem>>, vector<1024x128xf32>
    %mul3A_14 = vector.broadcast %slice3A_10 : vector<1024x1xf32> to vector<1024x128xf32>
    %mul3A_15 = arith.mulf %mul3A_14, %get3A_13 : vector<1024x128xf32>
    %add3A_16 = arith.addf %mul3A_9, %mul3A_15 : vector<1024x128xf32>
    %slice3A_17 = vector.extract_strided_slice %div3A_5 {offsets = [0, 2], sizes = [1024, 1], strides = [1, 1]} : vector<1024x10xf32> to vector<1024x1xf32>
    %get3A_18 = arith.constant 0 : index
    %get3A_19 = arith.constant 256 : index
    %get3A_20 = vector.load %arg0[%get3A_18, %get3A_19] : memref<1024x1280xf32, #tpu.memory_space<vmem>>, vector<1024x128xf32>
    %mul3A_21 = vector.broadcast %slice3A_17 : vector<1024x1xf32> to vector<1024x128xf32>
    %mul3A_22 = arith.mulf %mul3A_21, %get3A_20 : vector<1024x128xf32>
    %add3A_23 = arith.addf %add3A_16, %mul3A_22 : vector<1024x128xf32>
    %slice3A_24 = vector.extract_strided_slice %div3A_5 {offsets = [0, 3], sizes = [1024, 1], strides = [1, 1]} : vector<1024x10xf32> to vector<1024x1xf32>
    %get3A_25 = arith.constant 0 : index
    %get3A_26 = arith.constant 384 : index
    %get3A_27 = vector.load %arg0[%get3A_25, %get3A_26] : memref<1024x1280xf32, #tpu.memory_space<vmem>>, vector<1024x128xf32>
    %mul3A_28 = vector.broadcast %slice3A_24 : vector<1024x1xf32> to vector<1024x128xf32>
    %mul3A_29 = arith.mulf %mul3A_28, %get3A_27 : vector<1024x128xf32>
    %add3A_30 = arith.addf %add3A_23, %mul3A_29 : vector<1024x128xf32>
    %slice3A_31 = vector.extract_strided_slice %div3A_5 {offsets = [0, 4], sizes = [1024, 1], strides = [1, 1]} : vector<1024x10xf32> to vector<1024x1xf32>
    %get3A_32 = arith.constant 0 : index
    %get3A_33 = arith.constant 512 : index
    %get3A_34 = vector.load %arg0[%get3A_32, %get3A_33] : memref<1024x1280xf32, #tpu.memory_space<vmem>>, vector<1024x128xf32>
    %mul3A_35 = vector.broadcast %slice3A_31 : vector<1024x1xf32> to vector<1024x128xf32>
    %mul3A_36 = arith.mulf %mul3A_35, %get3A_34 : vector<1024x128xf32>
    %add3A_37 = arith.addf %add3A_30, %mul3A_36 : vector<1024x128xf32>
    %slice3A_38 = vector.extract_strided_slice %div3A_5 {offsets = [0, 5], sizes = [1024, 1], strides = [1, 1]} : vector<1024x10xf32> to vector<1024x1xf32>
    %get3A_39 = arith.constant 0 : index
    %get3A_40 = arith.constant 640 : index
    %get3A_41 = vector.load %arg0[%get3A_39, %get3A_40] : memref<1024x1280xf32, #tpu.memory_space<vmem>>, vector<1024x128xf32>
    %mul3A_42 = vector.broadcast %slice3A_38 : vector<1024x1xf32> to vector<1024x128xf32>
    %mul3A_43 = arith.mulf %mul3A_42, %get3A_41 : vector<1024x128xf32>
    %add3A_44 = arith.addf %add3A_37, %mul3A_43 : vector<1024x128xf32>
    %slice3A_45 = vector.extract_strided_slice %div3A_5 {offsets = [0, 6], sizes = [1024, 1], strides = [1, 1]} : vector<1024x10xf32> to vector<1024x1xf32>
    %get3A_46 = arith.constant 0 : index
    %get3A_47 = arith.constant 768 : index
    %get3A_48 = vector.load %arg0[%get3A_46, %get3A_47] : memref<1024x1280xf32, #tpu.memory_space<vmem>>, vector<1024x128xf32>
    %mul3A_49 = vector.broadcast %slice3A_45 : vector<1024x1xf32> to vector<1024x128xf32>
    %mul3A_50 = arith.mulf %mul3A_49, %get3A_48 : vector<1024x128xf32>
    %add3A_51 = arith.addf %add3A_44, %mul3A_50 : vector<1024x128xf32>
    %slice3A_52 = vector.extract_strided_slice %div3A_5 {offsets = [0, 7], sizes = [1024, 1], strides = [1, 1]} : vector<1024x10xf32> to vector<1024x1xf32>
    %get3A_53 = arith.constant 0 : index
    %get3A_54 = arith.constant 896 : index
    %get3A_55 = vector.load %arg0[%get3A_53, %get3A_54] : memref<1024x1280xf32, #tpu.memory_space<vmem>>, vector<1024x128xf32>
    %mul3A_56 = vector.broadcast %slice3A_52 : vector<1024x1xf32> to vector<1024x128xf32>
    %mul3A_57 = arith.mulf %mul3A_56, %get3A_55 : vector<1024x128xf32>
    %add3A_58 = arith.addf %add3A_51, %mul3A_57 : vector<1024x128xf32>
    %slice3A_59 = vector.extract_strided_slice %div3A_5 {offsets = [0, 8], sizes = [1024, 1], strides = [1, 1]} : vector<1024x10xf32> to vector<1024x1xf32>
    %get3A_60 = arith.constant 0 : index
    %get3A_61 = arith.constant 1024 : index
    %get3A_62 = vector.load %arg0[%get3A_60, %get3A_61] : memref<1024x1280xf32, #tpu.memory_space<vmem>>, vector<1024x128xf32>
    %mul3A_63 = vector.broadcast %slice3A_59 : vector<1024x1xf32> to vector<1024x128xf32>
    %mul3A_64 = arith.mulf %mul3A_63, %get3A_62 : vector<1024x128xf32>
    %add3A_65 = arith.addf %add3A_58, %mul3A_64 : vector<1024x128xf32>
    %slice3A_66 = vector.extract_strided_slice %div3A_5 {offsets = [0, 9], sizes = [1024, 1], strides = [1, 1]} : vector<1024x10xf32> to vector<1024x1xf32>
    %get3A_67 = arith.constant 0 : index
    %get3A_68 = arith.constant 1152 : index
    %get3A_69 = vector.load %arg0[%get3A_67, %get3A_68] : memref<1024x1280xf32, #tpu.memory_space<vmem>>, vector<1024x128xf32>
    %mul3A_70 = vector.broadcast %slice3A_66 : vector<1024x1xf32> to vector<1024x128xf32>
    %mul3A_71 = arith.mulf %mul3A_70, %get3A_69 : vector<1024x128xf32>
    %add3A_72 = arith.addf %add3A_65, %mul3A_71 : vector<1024x128xf32>
    %reduce_sum3A = arith.constant dense<0.000000e+00> : vector<1024xf32>
    %reduce_sum3A_73 = vector.multi_reduction <add>, %div3A_5, %reduce_sum3A [1] : vector<1024x10xf32> to vector<1024xf32>
    %broadcast_in_dim3A = vector.shape_cast %reduce_sum3A_73 : vector<1024xf32> to vector<1024x1xf32>
    %div3A_74 = vector.broadcast %broadcast_in_dim3A : vector<1024x1xf32> to vector<1024x128xf32>
    %div3A_75 = arith.divf %add3A_72, %div3A_74 : vector<1024x128xf32>
    %get3A_76 = arith.constant 0 : index
    %get3A_77 = arith.constant 0 : index
    %get3A_78 = vector.load %arg2[%get3A_76, %get3A_77] : memref<1024x128xf32, #tpu.memory_space<vmem>>, vector<1024x128xf32>
    %gt3A = arith.constant 0.000000e+00 : f32
    %gt3A_79 = vector.broadcast %gt3A : f32 to vector<1024x128xf32>
    %gt3A_80 = arith.cmpf ogt, %get3A_78, %gt3A_79 : vector<1024x128xf32>
    %jit3A = arith.constant -3.40282347E+38 : f32
    %broadcast_in_dim3A_81 = vector.broadcast %jit3A : f32 to vector<1024x128xf32>
    %select_n3A = arith.select %gt3A_80, %broadcast_in_dim3A_81, %div3A_75 : vector<1024x128xi1>, vector<1024x128xf32>
    %swap3A = arith.constant 0 : index
    %swap3A_82 = arith.constant 0 : index
    %swap3A_83 = vector.load %arg3[%swap3A, %swap3A_82] : memref<1024x128xf32, #tpu.memory_space<vmem>>, vector<1024x128xf32>
    tpu.vector_store %arg3[%swap3A, %swap3A_82], %select_n3A {strides = array<i32>} : memref<1024x128xf32, #tpu.memory_space<vmem>>, vector<1024x128xf32>,
    %iota3A = tpu.iota {dimensions = array<i32: 1>} : vector<1024x128xi32>
    %reduce_max3A = arith.constant dense<0xFF800000> : vector<1024xf32>
    %reduce_max3A_84 = vector.multi_reduction <maximumf>, %select_n3A, %reduce_max3A [1] : vector<1024x128xf32> to vector<1024xf32>
    %broadcast_in_dim3A_85 = vector.shape_cast %reduce_max3A_84 : vector<1024xf32> to vector<1024x1xf32>
    %eq3A = vector.broadcast %broadcast_in_dim3A_85 : vector<1024x1xf32> to vector<1024x128xf32>
    %eq3A_86 = arith.cmpf oeq, %select_n3A, %eq3A : vector<1024x128xf32>
    %jit3A_87 = arith.constant 1073741824 : i32
    %broadcast_in_dim3A_88 = vector.broadcast %jit3A_87 : i32 to vector<1024x128xi32>
    %select_n3A_89 = arith.select %eq3A_86, %iota3A, %broadcast_in_dim3A_88 : vector<1024x128xi1>, vector<1024x128xi32>
    %reduce_min3A = arith.constant dense<2147483647> : vector<1024xi32>
    %reduce_min3A_90 = vector.multi_reduction <minsi>, %select_n3A_89, %reduce_min3A [1] : vector<1024x128xi32> to vector<1024xi32>
    %broadcast_in_dim3A_91 = vector.shape_cast %reduce_min3A_90 : vector<1024xi32> to vector<1024x1xi32>
    %eq3A_92 = vector.broadcast %broadcast_in_dim3A_91 : vector<1024x1xi32> to vector<1024x128xi32>
    %eq3A_93 = arith.cmpi eq, %select_n3A_89, %eq3A_92 : vector<1024x128xi32>
    %jit3A_94 = arith.constant 0xFF800000 : f32
    %broadcast_in_dim3A_95 = vector.broadcast %jit3A_94 : f32 to vector<1024x128xf32>
    %select_n3A_96 = arith.select %eq3A_93, %broadcast_in_dim3A_95, %select_n3A : vector<1024x128xi1>, vector<1024x128xf32>
    %reduce_max3A_97 = arith.constant dense<0xFF800000> : vector<1024xf32>
    %reduce_max3A_98 = vector.multi_reduction <maximumf>, %select_n3A_96, %reduce_max3A_97 [1] : vector<1024x128xf32> to vector<1024xf32>
    %broadcast_in_dim3A_99 = vector.shape_cast %reduce_max3A_98 : vector<1024xf32> to vector<1024x1xf32>
    %eq3A_100 = vector.broadcast %broadcast_in_dim3A_99 : vector<1024x1xf32> to vector<1024x128xf32>
    %eq3A_101 = arith.cmpf oeq, %select_n3A_96, %eq3A_100 : vector<1024x128xf32>
    %jit3A_102 = arith.constant 1073741824 : i32
    %broadcast_in_dim3A_103 = vector.broadcast %jit3A_102 : i32 to vector<1024x128xi32>
    %select_n3A_104 = arith.select %eq3A_101, %iota3A, %broadcast_in_dim3A_103 : vector<1024x128xi1>, vector<1024x128xi32>
    %reduce_min3A_105 = arith.constant dense<2147483647> : vector<1024xi32>
    %reduce_min3A_106 = vector.multi_reduction <minsi>, %select_n3A_104, %reduce_min3A_105 [1] : vector<1024x128xi32> to vector<1024xi32>
    %broadcast_in_dim3A_107 = vector.shape_cast %reduce_min3A_106 : vector<1024xi32> to vector<1024x1xi32>
    %eq3A_108 = vector.broadcast %broadcast_in_dim3A_107 : vector<1024x1xi32> to vector<1024x128xi32>
    %eq3A_109 = arith.cmpi eq, %select_n3A_104, %eq3A_108 : vector<1024x128xi32>
    %jit3A_110 = arith.constant 0xFF800000 : f32
    %broadcast_in_dim3A_111 = vector.broadcast %jit3A_110 : f32 to vector<1024x128xf32>
    %select_n3A_112 = arith.select %eq3A_109, %broadcast_in_dim3A_111, %select_n3A_96 : vector<1024x128xi1>, vector<1024x128xf32>
    %reduce_max3A_113 = arith.constant dense<0xFF800000> : vector<1024xf32>
    %reduce_max3A_114 = vector.multi_reduction <maximumf>, %select_n3A_112, %reduce_max3A_113 [1] : vector<1024x128xf32> to vector<1024xf32>
    %broadcast_in_dim3A_115 = vector.shape_cast %reduce_max3A_114 : vector<1024xf32> to vector<1024x1xf32>
    %eq3A_116 = vector.broadcast %broadcast_in_dim3A_115 : vector<1024x1xf32> to vector<1024x128xf32>
    %eq3A_117 = arith.cmpf oeq, %select_n3A_112, %eq3A_116 : vector<1024x128xf32>
    %jit3A_118 = arith.constant 1073741824 : i32
    %broadcast_in_dim3A_119 = vector.broadcast %jit3A_118 : i32 to vector<1024x128xi32>
    %select_n3A_120 = arith.select %eq3A_117, %iota3A, %broadcast_in_dim3A_119 : vector<1024x128xi1>, vector<1024x128xi32>
    %reduce_min3A_121 = arith.constant dense<2147483647> : vector<1024xi32>
    %reduce_min3A_122 = vector.multi_reduction <minsi>, %select_n3A_120, %reduce_min3A_121 [1] : vector<1024x128xi32> to vector<1024xi32>
    %broadcast_in_dim3A_123 = vector.shape_cast %reduce_min3A_122 : vector<1024xi32> to vector<1024x1xi32>
    %eq3A_124 = vector.broadcast %broadcast_in_dim3A_123 : vector<1024x1xi32> to vector<1024x128xi32>
    %eq3A_125 = arith.cmpi eq, %select_n3A_120, %eq3A_124 : vector<1024x128xi32>
    %jit3A_126 = arith.constant 0xFF800000 : f32
    %broadcast_in_dim3A_127 = vector.broadcast %jit3A_126 : f32 to vector<1024x128xf32>
    %select_n3A_128 = arith.select %eq3A_125, %broadcast_in_dim3A_127, %select_n3A_112 : vector<1024x128xi1>, vector<1024x128xf32>
    %reduce_max3A_129 = arith.constant dense<0xFF800000> : vector<1024xf32>
    %reduce_max3A_130 = vector.multi_reduction <maximumf>, %select_n3A_128, %reduce_max3A_129 [1] : vector<1024x128xf32> to vector<1024xf32>
    %broadcast_in_dim3A_131 = vector.shape_cast %reduce_max3A_130 : vector<1024xf32> to vector<1024x1xf32>
    %eq3A_132 = vector.broadcast %broadcast_in_dim3A_131 : vector<1024x1xf32> to vector<1024x128xf32>
    %eq3A_133 = arith.cmpf oeq, %select_n3A_128, %eq3A_132 : vector<1024x128xf32>
    %jit3A_134 = arith.constant 1073741824 : i32
    %broadcast_in_dim3A_135 = vector.broadcast %jit3A_134 : i32 to vector<1024x128xi32>
    %select_n3A_136 = arith.select %eq3A_133, %iota3A, %broadcast_in_dim3A_135 : vector<1024x128xi1>, vector<1024x128xi32>
    %reduce_min3A_137 = arith.constant dense<2147483647> : vector<1024xi32>
    %reduce_min3A_138 = vector.multi_reduction <minsi>, %select_n3A_136, %reduce_min3A_137 [1] : vector<1024x128xi32> to vector<1024xi32>
    %broadcast_in_dim3A_139 = vector.shape_cast %reduce_min3A_138 : vector<1024xi32> to vector<1024x1xi32>
    %eq3A_140 = vector.broadcast %broadcast_in_dim3A_139 : vector<1024x1xi32> to vector<1024x128xi32>
    %eq3A_141 = arith.cmpi eq, %select_n3A_136, %eq3A_140 : vector<1024x128xi32>
    %jit3A_142 = arith.constant 0xFF800000 : f32
    %broadcast_in_dim3A_143 = vector.broadcast %jit3A_142 : f32 to vector<1024x128xf32>
    %select_n3A_144 = arith.select %eq3A_141, %broadcast_in_dim3A_143, %select_n3A_128 : vector<1024x128xi1>, vector<1024x128xf32>
    %reduce_max3A_145 = arith.constant dense<0xFF800000> : vector<1024xf32>
    %reduce_max3A_146 = vector.multi_reduction <maximumf>, %select_n3A_144, %reduce_max3A_145 [1] : vector<1024x128xf32> to vector<1024xf32>
    %broadcast_in_dim3A_147 = vector.shape_cast %reduce_max3A_146 : vector<1024xf32> to vector<1024x1xf32>
    %eq3A_148 = vector.broadcast %broadcast_in_dim3A_147 : vector<1024x1xf32> to vector<1024x128xf32>
    %eq3A_149 = arith.cmpf oeq, %select_n3A_144, %eq3A_148 : vector<1024x128xf32>
    %jit3A_150 = arith.constant 1073741824 : i32
    %broadcast_in_dim3A_151 = vector.broadcast %jit3A_150 : i32 to vector<1024x128xi32>
    %select_n3A_152 = arith.select %eq3A_149, %iota3A, %broadcast_in_dim3A_151 : vector<1024x128xi1>, vector<1024x128xi32>
    %reduce_min3A_153 = arith.constant dense<2147483647> : vector<1024xi32>
    %reduce_min3A_154 = vector.multi_reduction <minsi>, %select_n3A_152, %reduce_min3A_153 [1] : vector<1024x128xi32> to vector<1024xi32>
    %broadcast_in_dim3A_155 = vector.shape_cast %reduce_min3A_154 : vector<1024xi32> to vector<1024x1xi32>
    %eq3A_156 = vector.broadcast %broadcast_in_dim3A_155 : vector<1024x1xi32> to vector<1024x128xi32>
    %eq3A_157 = arith.cmpi eq, %select_n3A_152, %eq3A_156 : vector<1024x128xi32>
    %jit3A_158 = arith.constant 0xFF800000 : f32
    %broadcast_in_dim3A_159 = vector.broadcast %jit3A_158 : f32 to vector<1024x128xf32>
    %select_n3A_160 = arith.select %eq3A_157, %broadcast_in_dim3A_159, %select_n3A_144 : vector<1024x128xi1>, vector<1024x128xf32>
    %reduce_max3A_161 = arith.constant dense<0xFF800000> : vector<1024xf32>
    %reduce_max3A_162 = vector.multi_reduction <maximumf>, %select_n3A_160, %reduce_max3A_161 [1] : vector<1024x128xf32> to vector<1024xf32>
    %broadcast_in_dim3A_163 = vector.shape_cast %reduce_max3A_162 : vector<1024xf32> to vector<1024x1xf32>
    %eq3A_164 = vector.broadcast %broadcast_in_dim3A_163 : vector<1024x1xf32> to vector<1024x128xf32>
    %eq3A_165 = arith.cmpf oeq, %select_n3A_160, %eq3A_164 : vector<1024x128xf32>
    %jit3A_166 = arith.constant 1073741824 : i32
    %broadcast_in_dim3A_167 = vector.broadcast %jit3A_166 : i32 to vector<1024x128xi32>
    %select_n3A_168 = arith.select %eq3A_165, %iota3A, %broadcast_in_dim3A_167 : vector<1024x128xi1>, vector<1024x128xi32>
    %reduce_min3A_169 = arith.constant dense<2147483647> : vector<1024xi32>
    %reduce_min3A_170 = vector.multi_reduction <minsi>, %select_n3A_168, %reduce_min3A_169 [1] : vector<1024x128xi32> to vector<1024xi32>
    %broadcast_in_dim3A_171 = vector.shape_cast %reduce_min3A_170 : vector<1024xi32> to vector<1024x1xi32>
    %eq3A_172 = vector.broadcast %broadcast_in_dim3A_171 : vector<1024x1xi32> to vector<1024x128xi32>
    %eq3A_173 = arith.cmpi eq, %select_n3A_168, %eq3A_172 : vector<1024x128xi32>
    %jit3A_174 = arith.constant 0xFF800000 : f32
    %broadcast_in_dim3A_175 = vector.broadcast %jit3A_174 : f32 to vector<1024x128xf32>
    %select_n3A_176 = arith.select %eq3A_173, %broadcast_in_dim3A_175, %select_n3A_160 : vector<1024x128xi1>, vector<1024x128xf32>
    %reduce_max3A_177 = arith.constant dense<0xFF800000> : vector<1024xf32>
    %reduce_max3A_178 = vector.multi_reduction <maximumf>, %select_n3A_176, %reduce_max3A_177 [1] : vector<1024x128xf32> to vector<1024xf32>
    %broadcast_in_dim3A_179 = vector.shape_cast %reduce_max3A_178 : vector<1024xf32> to vector<1024x1xf32>
    %eq3A_180 = vector.broadcast %broadcast_in_dim3A_179 : vector<1024x1xf32> to vector<1024x128xf32>
    %eq3A_181 = arith.cmpf oeq, %select_n3A_176, %eq3A_180 : vector<1024x128xf32>
    %jit3A_182 = arith.constant 1073741824 : i32
    %broadcast_in_dim3A_183 = vector.broadcast %jit3A_182 : i32 to vector<1024x128xi32>
    %select_n3A_184 = arith.select %eq3A_181, %iota3A, %broadcast_in_dim3A_183 : vector<1024x128xi1>, vector<1024x128xi32>
    %reduce_min3A_185 = arith.constant dense<2147483647> : vector<1024xi32>
    %reduce_min3A_186 = vector.multi_reduction <minsi>, %select_n3A_184, %reduce_min3A_185 [1] : vector<1024x128xi32> to vector<1024xi32>
    %broadcast_in_dim3A_187 = vector.shape_cast %reduce_min3A_186 : vector<1024xi32> to vector<1024x1xi32>
    %eq3A_188 = vector.broadcast %broadcast_in_dim3A_187 : vector<1024x1xi32> to vector<1024x128xi32>
    %eq3A_189 = arith.cmpi eq, %select_n3A_184, %eq3A_188 : vector<1024x128xi32>
    %jit3A_190 = arith.constant 0xFF800000 : f32
    %broadcast_in_dim3A_191 = vector.broadcast %jit3A_190 : f32 to vector<1024x128xf32>
    %select_n3A_192 = arith.select %eq3A_189, %broadcast_in_dim3A_191, %select_n3A_176 : vector<1024x128xi1>, vector<1024x128xf32>
    %reduce_max3A_193 = arith.constant dense<0xFF800000> : vector<1024xf32>
    %reduce_max3A_194 = vector.multi_reduction <maximumf>, %select_n3A_192, %reduce_max3A_193 [1] : vector<1024x128xf32> to vector<1024xf32>
    %broadcast_in_dim3A_195 = vector.shape_cast %reduce_max3A_194 : vector<1024xf32> to vector<1024x1xf32>
    %eq3A_196 = vector.broadcast %broadcast_in_dim3A_195 : vector<1024x1xf32> to vector<1024x128xf32>
    %eq3A_197 = arith.cmpf oeq, %select_n3A_192, %eq3A_196 : vector<1024x128xf32>
    %jit3A_198 = arith.constant 1073741824 : i32
    %broadcast_in_dim3A_199 = vector.broadcast %jit3A_198 : i32 to vector<1024x128xi32>
    %select_n3A_200 = arith.select %eq3A_197, %iota3A, %broadcast_in_dim3A_199 : vector<1024x128xi1>, vector<1024x128xi32>
    %reduce_min3A_201 = arith.constant dense<2147483647> : vector<1024xi32>
    %reduce_min3A_202 = vector.multi_reduction <minsi>, %select_n3A_200, %reduce_min3A_201 [1] : vector<1024x128xi32> to vector<1024xi32>
    %broadcast_in_dim3A_203 = vector.shape_cast %reduce_min3A_202 : vector<1024xi32> to vector<1024x1xi32>
    %eq3A_204 = vector.broadcast %broadcast_in_dim3A_203 : vector<1024x1xi32> to vector<1024x128xi32>
    %eq3A_205 = arith.cmpi eq, %select_n3A_200, %eq3A_204 : vector<1024x128xi32>
    %jit3A_206 = arith.constant 0xFF800000 : f32
    %broadcast_in_dim3A_207 = vector.broadcast %jit3A_206 : f32 to vector<1024x128xf32>
    %select_n3A_208 = arith.select %eq3A_205, %broadcast_in_dim3A_207, %select_n3A_192 : vector<1024x128xi1>, vector<1024x128xf32>
    %reduce_max3A_209 = arith.constant dense<0xFF800000> : vector<1024xf32>
    %reduce_max3A_210 = vector.multi_reduction <maximumf>, %select_n3A_208, %reduce_max3A_209 [1] : vector<1024x128xf32> to vector<1024xf32>
    %broadcast_in_dim3A_211 = vector.shape_cast %reduce_max3A_210 : vector<1024xf32> to vector<1024x1xf32>
    %eq3A_212 = vector.broadcast %broadcast_in_dim3A_211 : vector<1024x1xf32> to vector<1024x128xf32>
    %eq3A_213 = arith.cmpf oeq, %select_n3A_208, %eq3A_212 : vector<1024x128xf32>
    %jit3A_214 = arith.constant 1073741824 : i32
    %broadcast_in_dim3A_215 = vector.broadcast %jit3A_214 : i32 to vector<1024x128xi32>
    %select_n3A_216 = arith.select %eq3A_213, %iota3A, %broadcast_in_dim3A_215 : vector<1024x128xi1>, vector<1024x128xi32>
    %reduce_min3A_217 = arith.constant dense<2147483647> : vector<1024xi32>
    %reduce_min3A_218 = vector.multi_reduction <minsi>, %select_n3A_216, %reduce_min3A_217 [1] : vector<1024x128xi32> to vector<1024xi32>
    %broadcast_in_dim3A_219 = vector.shape_cast %reduce_min3A_218 : vector<1024xi32> to vector<1024x1xi32>
    %eq3A_220 = vector.broadcast %broadcast_in_dim3A_219 : vector<1024x1xi32> to vector<1024x128xi32>
    %eq3A_221 = arith.cmpi eq, %select_n3A_216, %eq3A_220 : vector<1024x128xi32>
    %jit3A_222 = arith.constant 0xFF800000 : f32
    %broadcast_in_dim3A_223 = vector.broadcast %jit3A_222 : f32 to vector<1024x128xf32>
    %select_n3A_224 = arith.select %eq3A_221, %broadcast_in_dim3A_223, %select_n3A_208 : vector<1024x128xi1>, vector<1024x128xf32>
    %reduce_max3A_225 = arith.constant dense<0xFF800000> : vector<1024xf32>
    %reduce_max3A_226 = vector.multi_reduction <maximumf>, %select_n3A_224, %reduce_max3A_225 [1] : vector<1024x128xf32> to vector<1024xf32>
    %broadcast_in_dim3A_227 = vector.shape_cast %reduce_max3A_226 : vector<1024xf32> to vector<1024x1xf32>
    %eq3A_228 = vector.broadcast %broadcast_in_dim3A_227 : vector<1024x1xf32> to vector<1024x128xf32>
    %eq3A_229 = arith.cmpf oeq, %select_n3A_224, %eq3A_228 : vector<1024x128xf32>
    %jit3A_230 = arith.constant 1073741824 : i32
    %broadcast_in_dim3A_231 = vector.broadcast %jit3A_230 : i32 to vector<1024x128xi32>
    %select_n3A_232 = arith.select %eq3A_229, %iota3A, %broadcast_in_dim3A_231 : vector<1024x128xi1>, vector<1024x128xi32>
    %reduce_min3A_233 = arith.constant dense<2147483647> : vector<1024xi32>
    %reduce_min3A_234 = vector.multi_reduction <minsi>, %select_n3A_232, %reduce_min3A_233 [1] : vector<1024x128xi32> to vector<1024xi32>
    %broadcast_in_dim3A_235 = vector.shape_cast %reduce_min3A_234 : vector<1024xi32> to vector<1024x1xi32>
    %concatenate3A = tpu.concatenate %broadcast_in_dim3A_91, %broadcast_in_dim3A_107, %broadcast_in_dim3A_123, %broadcast_in_dim3A_139, %broadcast_in_dim3A_155, %broadcast_in_dim3A_171, %broadcast_in_dim3A_187, %broadcast_in_dim3A_203, %broadcast_in_dim3A_219, %broadcast_in_dim3A_235 in 1 : vector<1024x1xi32>, vector<1024x1xi32>, vector<1024x1xi32>, vector<1024x1xi32>, vector<1024x1xi32>, vector<1024x1xi32>, vector<1024x1xi32>, vector<1024x1xi32>, vector<1024x1xi32>, vector<1024x1xi32> -> vector<1024x10xi32>
    %swap3A_236 = arith.constant 0 : index
    %swap3A_237 = arith.constant 0 : index
    %swap3A_238 = vector.load %arg4[%swap3A_236, %swap3A_237] : memref<1024x10xi32, #tpu.memory_space<vmem>>, vector<1024x10xi32>
    tpu.vector_store %arg4[%swap3A_236, %swap3A_237], %concatenate3A {strides = array<i32>} : memref<1024x10xi32, #tpu.memory_space<vmem>>, vector<1024x10xi32>,
    return
  }
}

</mosaic_0001>

<sc_bundles>
// kernel: kernel.5.cloned.1.call-start
scs
__scs_entry_jumppad:
0x0: {  	(pc) =	sbr.rel $0x88, $3  }
0x1: {  	(tag) =	ssettag $0x0;
	lr =	simm.s32 $0x1  }
0x2: {  	[smem:$0x3F9F] =	sst lr;
	_ =	strace $0xD0000000  }
0x3: {  	_ = 	snop  }
0x4: {  	_ = 	snop  }
0x5: {  	_ = 	snop  }
0x6: {  	_ = 	snop  }
0x7: {  	_ = 	snop  }
__scs_overlays_trampoline_lowered:
0x8: {  	[smem:$0x3FAE] =	sst s0  }
0x9: {  	[smem:$0x3FAF] =	sst s1  }
0xa: {  	[smem:$0x3FB0] =	sst s2  }
0xb: {  	[smem:$0x3FB1] =	sst s3  }
0xc: {  	[smem:$0x3FB2] =	sst s4  }
0xd: {  	[smem:$0x3FB3] =	sst s5  }
0xe: {  	[smem:$0x3FB4] =	sst s6  }
0xf: {  	[smem:$0x3FB5] =	sst s7  }
0x10: {  	[smem:$0x3FB6] =	sst s8  }
0x11: {  	[smem:$0x3FB7] =	sst s9;
	s0 =	simm.s32 @!p0 $0x0  }
0x12: {  	s1 =	sld [smem:$0x3F9D];
	s0 =	simm.s32 @p0 $0x1  }
0x13: {  	[smem:$0x3FB8] =	sst s0;
	s0 =	simm.s32 @!p1 $0x0  }
0x14: {  	s2 =	sld [smem:$0x3F9C];
	s0 =	simm.s32 @p1 $0x1  }
0x15: {  	[smem:$0x3FB9] =	sst s0;
	s0 =	simm.s32 @!p2 $0x0  }
0x16: {  	s3 =	sld [smem:$0x3FDB];
	s0 =	simm.s32 @p2 $0x1  }
0x17: {  	s4 =	simm.s32 $0x1BF5;
	[smem:$0x3FBB] =	sst s0  }
0x18: {  	s0 =	sld [smem:$0x3F9E];
	_ =	swait.ge [sflag:s4], $0x0  }
0x19: {  	s7 =	sld [smem:$0x3F9F]  }
0x1a: {  	s8 =	sadd.s32 $0xFFFFE003, lr  }
0x1b: {  	s9 =	sadd.s32 $0xFFFFFEF7, lr;
	s5 =	simm.s32 $0xFFFFFFFF;
	p2 =	slt.u32 s8, $0xFFFFF086  }
0x1c: {  	p1 =	slt.u32 s9, $0xF7A;
	s5 =	simm.s32 @!p2 $0x0  }
0x1d: {  	s5 =	simm.s32 @p1 $0x1;
	p0 =	seq.s32 s7, s2  }
0x1e: {  	s7 =	smul.u32 @!p0 $0xF7A, s2;
	p2 =	seq.s32 @!p0 s5, $0x0  }
0x1f: {  	s9 =	smul.u32 $0xF7A, s1;
	s8 =	simm.s32 @!p0 $0x1BF5;
	p2 =	por !p2, p0  }
0x20: {  	[sflag:s8] =	ssyncset.s32 @!p0 $0xFFFFF086;
	s6 =	sadd.s32 @!p0 s3, s7;
	s7 =	simm.s32 @!p0 $0x108  }
0x21: {  	s3 =	sadd.s32 s3, s9;
	s6 =	sadd.s32 @!p0 $0x88, s6;
	s7 =	simm.s32 @p2 $0x1082  }
0x22: {  	[simem:s7], [sflag:s8] =	dma.local @!p0 [hbm:s6], $0xF7A  }
0x23: {  	s9 =	sor.u32 $0xD0000000, s2;
	s6 =	simm.s32 $0x108;
	_ =	swait.ge @!p0 [sflag:s8], $0x0  }
0x24: {  	s3 =	sadd.s32 $0x88, s3;
	s6 =	simm.s32 @!p1 $0x1082;
	[sflag:s4] =	ssyncset.s32 $0xFFFFF086  }
0x25: {  	[simem:s6], [sflag:s4] =	dma.local [hbm:s3], $0xF7A  }
0x26: {  	[smem:$0x3F9F] =	sst s1;
	(tag) =	ssettag s2;
	_ =	strace s9  }
0x27: {  	s1 =	sld [smem:$0x3FAF]  }
0x28: {  	s2 =	sld [smem:$0x3FB0]  }
0x29: {  	s4 =	sld [smem:$0x3FB2]  }
0x2a: {  	p0 =	seq.s32 s5, $0x0;
	s5 =	sld [smem:$0x3FB3]  }
0x2b: {  	s6 =	sld [smem:$0x3FB4]  }
0x2c: {  	s7 =	sld [smem:$0x3FB5]  }
0x2d: {  	s3 =	simm.s32 $0x108;
	s8 =	sld [smem:$0x3FB6]  }
0x2e: {  	s3 =	simm.s32 @!p0 $0x1082;
	s9 =	sld [smem:$0x3FB7]  }
0x2f: {  	lr =	sadd.s32 s0, s3;
	s0 =	sld [smem:$0x3FAE]  }
0x30: {  	s3 =	sld [smem:$0x3FB1]  }
0x31: {  	[smem:$0x3FBA] =	sst s10  }
0x32: {  	s10 =	sld [smem:$0x3FB8];
	_ =	sdelay $0x3  }
0x33: {  	p0 =	seq.s32 s10, $0x1;
	s10 =	sld [smem:$0x3FBA];
	_ =	sdelay $0x3  }
0x34: {  	[smem:$0x3FBA] =	sst s10  }
0x35: {  	s10 =	sld [smem:$0x3FB9];
	_ =	sdelay $0x3  }
0x36: {  	p1 =	seq.s32 s10, $0x1;
	s10 =	sld [smem:$0x3FBA];
	_ =	sdelay $0x3  }
0x37: {  	[smem:$0x3FBA] =	sst s10  }
0x38: {  	s10 =	sld [smem:$0x3FBB]  }
0x39: {  	_ = 	snop;
	(pc) =	sbr.ind lr, $3  }
0x3a: {  	_ = 	snop  }
0x3b: {  	_ = 	snop  }
0x3c: {  	p2 =	seq.s32 s10, $0x1;
	s10 =	sld [smem:$0x3FBA]  }
0x3d: {  	_ =	shalt  }
0x3e: {  	_ =	shalt  }
0x3f: {  	_ =	shalt  }
0x40: {  	_ =	shalt  }
0x41: {  	_ =	shalt  }
0x42: {  	_ =	shalt  }
0x43: {  	_ =	shalt  }
0x44: {  	_ =	shalt  }
0x45: {  	_ =	shalt  }
0x46: {  	_ =	shalt  }
0x47: {  	_ =	shalt  }
0x48: {  	_ =	shalt  }
0x49: {  	_ =	shalt  }
0x4a: {  	_ =	shalt  }
0x4b: {  	_ =	shalt  }
0x4c: {  	_ =	shalt  }
0x4d: {  	_ =	shalt  }
0x4e: {  	_ =	shalt  }
0x4f: {  	_ =	shalt  }
0x50: {  	_ =	shalt  }
0x51: {  	_ =	shalt  }
0x52: {  	_ =	shalt  }
0x53: {  	_ =	shalt  }
0x54: {  	_ =	shalt  }
0x55: {  	_ =	shalt  }
0x56: {  	_ =	shalt  }
0x57: {  	_ =	shalt  }
0x58: {  	_ =	shalt  }
0x59: {  	_ =	shalt  }
0x5a: {  	_ =	shalt  }
0x5b: {  	_ =	shalt  }
0x5c: {  	_ =	shalt  }
0x5d: {  	_ =	shalt  }
0x5e: {  	_ =	shalt  }
0x5f: {  	_ =	shalt  }
0x60: {  	_ =	shalt  }
0x61: {  	_ =	shalt  }
0x62: {  	_ =	shalt  }
0x63: {  	_ =	shalt  }
0x64: {  	_ =	shalt  }
0x65: {  	_ =	shalt  }
0x66: {  	_ =	shalt  }
0x67: {  	_ =	shalt  }
0x68: {  	_ =	shalt  }
0x69: {  	_ =	shalt  }
0x6a: {  	_ =	shalt  }
0x6b: {  	_ =	shalt  }
0x6c: {  	_ =	shalt  }
0x6d: {  	_ =	shalt  }
0x6e: {  	_ =	shalt  }
0x6f: {  	_ =	shalt  }
0x70: {  	_ =	shalt  }
0x71: {  	_ =	shalt  }
0x72: {  	_ =	shalt  }
0x73: {  	_ =	shalt  }
0x74: {  	_ =	shalt  }
0x75: {  	_ =	shalt  }
0x76: {  	_ =	shalt  }
0x77: {  	_ =	shalt  }
0x78: {  	_ =	shalt  }
0x79: {  	_ =	shalt  }
0x7a: {  	_ =	shalt  }
0x7b: {  	_ =	shalt  }
0x7c: {  	_ =	shalt  }
0x7d: {  	_ =	shalt  }
0x7e: {  	_ =	shalt  }
0x7f: {  	_ =	shalt  }
0x80: {  	_ =	shalt  }
0x81: {  	_ =	shalt  }
0x82: {  	_ =	shalt  }
0x83: {  	_ =	shalt  }
0x84: {  	_ =	shalt  }
0x85: {  	_ =	shalt  }
0x86: {  	_ =	shalt  }
0x87: {  	_ =	shalt  }
.Lfunc_end0:
.L_simem_size_0:
called_computation_lowered:
.L_overlay_start_0:
0x88: {  	s2 =	sld [smem:$0x3FD9]  }
0x89: {  	s3 =	sld [smem:$0x3FFE];
	_ =	sdelay $0x1  }
0x8a: {  	s1 =	srdreg.scid  }
0x8b: {  	s0 =	sand.u32 $0x1, s1  }
0x8c: {  	s14 =	sshll.u32 s0, $0xA;
	s2 =	sadd.s32 s3, s2  }
0x8d: {  	s2 =	sadd.s32 s2, s14  }
0x8e: {  	[smem:$0x3FC6] =	sst s2  }
0x8f: {  	_ = 	snop  }
0x90: {  	s2 =	sld [smem:$0x3FD0];
	_ =	sdelay $0x2  }
0x91: {  	s4 =	simm.s32 $0xA;
	s5 =	simm.s32 $0x10;
	s15 =	sld [smem:$0x3FC8]  }
0x92: {  	[smem:s5], [sflag:s4] =	dma.local [hbm:s2], $0x1  }
0x93: {  	_ =	swait.eq [sflag:s4], $0x1  }
0x94: {  	[sflag:s4] =	ssyncset.done $0x0  }
0x95: {  	[sflag:s4] =	ssyncadd.s32 $0xFFFFFFFF  }
0x96: {  	s16 =	sld [smem:$0x11];
	(tm) =	ssettm $0x1  }
0x97: {  	s17 =	sld [smem:$0x3FFB];
	_ =	sdelay $0x3  }
0x98: {  	_ =	strace s17  }
0x99: {  	s4 =	sld [smem:$0x3FFC];
	_ =	sdelay $0x3  }
0x9a: {  	_ =	strace s4  }
0x9b: {  	s4 =	sld [smem:$0x3FFD];
	_ =	sdelay $0x3  }
0x9c: {  	_ =	strace s4  }
0x9d: {  	_ =	strace $0x8FFFFFFF  }
0x9e: {  	s18 =	sld [smem:$0x3FDB];
	_ =	sdelay $0x1  }
0x9f: {  	s19 =	simm.s32 $_scs_section_size  }
0xa0: {  	s6 =	simm.s32 $_size__tile_overlayer_lowered;
	s7 =	simm.s32 $_tile_overlayer_lowered  }
0xa1: {  	s22 =	simm.s32 $0x1BFF;
	s21 =	sshll.u32 s7, $0x1;
	s4 =	sadd.s32 s19, s18  }
0xa2: {  	s8 =	simm.s32 $0x0;
	s20 =	sshll.u32 s6, $0x1;
	s6 =	sadd.s32 s21, s4  }
0xa3: {  	[timem:s8], [sflag:s22] =	dma.local [hbm:s6], s20  }
0xa4: {  	_ =	swait.ge [sflag:s22], s20  }
0xa5: {  	s5 =	ssub.s32 $0x0, s20;
	[sflag:s22] =	ssyncset.done $0x0  }
0xa6: {  	[sflag:s22] =	ssyncadd.s32 s5;
	_ =	sdelay $0x1  }
0xa7: {  	s23 =	simm.s32 $0x1B8B  }
0xa8: {  	_ =	swait.ge [sflag:s23], $0x1  }
0xa9: {  	[sflag:s23] =	ssyncset.done $0x0  }
0xaa: {  	s25 =	simm.s32 $0x1B8E;
	s24 =	sld [smem:$0x3FFE];
	[sflag:s23] =	ssyncadd.s32 $0xFFFFFFFF  }
0xab: {  	s26 =	simm.s32 $execute0_lowered;
	[smem:$0x3FD2] =	sst s25  }
0xac: {  	s6 =	sshll.u32 s26, $0x1;
	_ =	strace $0x80000046;
	[dreg:$0x1] =	wrdreg $0xFFFFFFFF  }
0xad: {  	s28 =	simm.s32 $_size_execute0_lowered;
	s4 =	sadd.s32 s4, s6;
	[dreg:$0x0] =	wrdreg $0x0  }
0xae: {  	s6 =	sshll.u32 s28, $0x1;
	[dreg:$0x2] =	wrdreg s4  }
0xaf: {  	[dreg:$0x3] =	wrdreg s6  }
0xb0: {  	[dreg:$0x4] =	wrdreg $0xC0  }
0xb1: {  	_ =	task [dreg:s8], $0x5FFFF  }
0xb2: {  	[dreg:$0x1] =	wrdreg $0xFFFFFFFF  }
0xb3: {  	[dreg:$0x0] =	wrdreg $0x60  }
0xb4: {  	[dreg:$0x2] =	wrdreg s15  }
0xb5: {  	[dreg:$0x3] =	wrdreg s16  }
0xb6: {  	[dreg:$0x4] =	wrdreg s24  }
0xb7: {  	[dreg:$0x5] =	wrdreg $0x9  }
0xb8: {  	_ =	task.clear_ibuf [dreg:s8], $0x6FFFF;
	_ =	strace $0x90000046  }
0xb9: {  	s29 =	simm.s32 $0x9;
	_ =	strace $0x80000048  }
0xba: {  	_ =	swait.ge [sflag:s29], $0x1  }
0xbb: {  	[sflag:s29] =	ssyncadd.s32 $0xFFFFFFFF  }
0xbc: {  	_ =	strace $0x90000048  }
0xbd: {  	_ =	sfence  }
0xbe: {  	s30 =	sld [smem:$0x0];
	_ =	sdelay $0x2  }
0xbf: {  	s31 =	sshll.u32 s1, $0xD;
	s1 =	sshrl.u32 s1, $0x2  }
0xc0: {  	s3 =	sand.u32 $0x4000, s31;
	s1 =	sadd.s32 s1, s30  }
0xc1: {  	s0 =	sor.u32 s3, s0;
	s1 =	sshll.u32 s1, $0x11  }
0xc2: {  	s0 =	sor.u32 s1, s0  }
0xc3: {  	s0 =	sadd.s32 $0x8F2B, s0  }
0xc4: {  	[sflag:s0] =	ssyncadd.remote.s32 $0x1  }
0xc5: {  	_ =	sfence.sel $0xFFFF  }
0xc6: {  	[dreg:$0x0] =	wrdreg $0xFFFFFFFF;
	(pc) =	sbr.abs _section_cstart, $3  }
0xc7: {  	[dreg:$0x1] =	wrdreg $0xFFFFFFFF  }
0xc8: {  	_ =	task.clear_ibuf [dreg:s8], $0x2FFFF;
	_ =	strace $0x9FFFFFFF  }
0xc9: {  	(tm) =	ssettm $0x7FFFFFFF  }
tec
execute0_lowered:
.L_overlay_start_1:
0x0: {  	(tag) =	ssettag $0x1  }
0x1: {  	s2 =	rddreg [dreg:$0x0]  }
0x2: {  	s4 =	rddreg [dreg:$0x1]  }
0x3: {  	s1 =	srdreg.scid;
	s0 =	stileid.u32  }
0x4: {  	s9 =	rddreg [dreg:$0x2];
	s14 =	sand.u32 $0x1, s1;
	s5 =	sshll.u32 s0, $0x1  }
0x5: {  	s3 =	simm.s32 $0x0;
	s1 =	rddreg [dreg:$0x3];
	s10 =	sor.u32 s14, s5  }
0x6: {  	[smem:$0x7FF] =	sst s3;
	s5 =	sshll.u32 s10, $0x6  }
0x7: {  	_ =	strace $0x80000047;
	s5 =	sadd.s32 s4, s5;
	s4 =	simm.s32 $0x2  }
0x8: {  	[tilespmem:s3], [sflag:$0x2] =	stream.linear.gather [hbm4b:s5+s3], $0x200, $0x38;
	[tilespmem:$0x2A00] =	vst v63  }
0x9: {  	_ =	swait.ge [sflag:s4], $0x200  }
0xa: {  	s6 =	simm.s32 $0x50;
	[sflag:s4] =	ssyncset.done $0x0  }
0xb: {  	s7 =	simm.s32 $0x200;
	s8 =	simm.s32 $0x1;
	[sflag:s4] =	ssyncadd.s32 $0xFFFFFE00  }
0xc: {  	[tilespmem:s7], [sflag:$0x1] =	stream.indirect.gather [hbm4b:s2+s6], $0x80, s3, s6, $0xb8;
	[tilespmem:$0x2A00] =	vst v63  }
0xd: {  	s11 =	smul.u32 $0x1400, s10;
	_ =	swait.ge [sflag:s8], $0x2800  }
0xe: {  	s12 =	sadd.s32 $0xA00, s9;
	[sflag:s8] =	ssyncset.done $0x0  }
0xf: {  	s9 =	sadd.s32 s12, s11;
	[sflag:s8] =	ssyncadd.s32 $0xFFFFD800  }
0x10: {  	[hbm4b:s9+s3] =	stream.linear.scatter [tilespmem:s7], [sflag:$0x2], $0x2800, $0x38;
	[tilespmem:$0x2A00] =	vst v63  }
0x11: {  	_ =	swait.ge [sflag:s4], $0x2800  }
0x12: {  	[sflag:s4] =	ssyncset.done $0x0  }
0x13: {  	s31 =	smul.u32 $0xA000, s10;
	s10 =	simm.s32 $0x80;
	[sflag:s4] =	ssyncadd.s32 $0xFFFFD800  }
0x14: {  	[tilespmem:s7], [sflag:$0x1] =	stream.indirect.gather [hbm4b:s2+s6], $0x80, s10, s6, $0xb8;
	[tilespmem:$0x2A00] =	vst v63  }
0x15: {  	s11 =	sshrl.u32 s31, $0x3;
	_ =	swait.ge [sflag:s8], $0x2800  }
0x16: {  	s15 =	sadd.s32 s12, s11;
	[sflag:s8] =	ssyncset.done $0x0  }
0x17: {  	s11 =	sadd.s32 $0x500, s15;
	[sflag:s8] =	ssyncadd.s32 $0xFFFFD800  }
0x18: {  	[hbm4b:s11+s3] =	stream.linear.scatter [tilespmem:s7], [sflag:$0x2], $0x2800, $0x38;
	[tilespmem:$0x2A00] =	vst v63  }
0x19: {  	_ =	swait.ge [sflag:s4], $0x2800  }
0x1a: {  	[sflag:s4] =	ssyncset.done $0x0  }
0x1b: {  	s12 =	simm.s32 $0x100;
	[sflag:s4] =	ssyncadd.s32 $0xFFFFD800  }
0x1c: {  	[tilespmem:s7], [sflag:$0x1] =	stream.indirect.gather [hbm4b:s2+s6], $0x80, s12, s6, $0xb8;
	[tilespmem:$0x2A00] =	vst v63  }
0x1d: {  	_ =	swait.ge [sflag:s8], $0x2800  }
0x1e: {  	[sflag:s8] =	ssyncset.done $0x0  }
0x1f: {  	s16 =	ssub.s32 $0x2, s14;
	s13 =	sadd.s32 $0xA00, s15;
	[sflag:s8] =	ssyncadd.s32 $0xFFFFD800  }
0x20: {  	[hbm4b:s13+s3] =	stream.linear.scatter [tilespmem:s7], [sflag:$0x2], $0x2800, $0x38;
	[tilespmem:$0x2A00] =	vst v63  }
0x21: {  	s17 =	sshrl.u32 s16, $0x1;
	_ =	swait.ge [sflag:s4], $0x2800  }
0x22: {  	s16 =	ssub.s32 s16, s17;
	[sflag:s4] =	ssyncset.done $0x0  }
0x23: {  	s14 =	simm.s32 $0x180;
	s16 =	smax.u32 s16, $0x1;
	[sflag:s4] =	ssyncadd.s32 $0xFFFFD800  }
0x24: {  	[tilespmem:s7], [sflag:$0x1] =	stream.indirect.gather [hbm4b:s2+s6], $0x80, s14, s6, $0xb8;
	[tilespmem:$0x2A00] =	vst v63  }
0x25: {  	p0 =	sne.s32 s16, $0x1;
	_ =	swait.ge [sflag:s8], $0x2800  }
.Ltmp0:
0x26: {  	[sflag:s8] =	ssyncset.done $0x0;
	(pc) =	sbr.rel @!p0 .LBB2_2-.Ltmp0, $4  }
0x27: {  	s15 =	sadd.s32 $0xF00, s15;
	[sflag:s8] =	ssyncadd.s32 $0xFFFFD800  }
0x28: {  	[hbm4b:s15+s3] =	stream.linear.scatter [tilespmem:s7], [sflag:$0x2], $0x2800, $0x38;
	[tilespmem:$0x2A00] =	vst v63  }
0x29: {  	_ =	swait.ge [sflag:s4], $0x2800  }
0x2a: {  	s16 =	sadd.s32 $0xFFFFFFFF, s16;
	[sflag:s4] =	ssyncset.done $0x0  }
.LBB2_1:
0x2b: {  	p0 =	sne.s32 s16, $0x1;
	s16 =	sadd.s32 $0xFFFFFFFF, s16;
	[sflag:s4] =	ssyncadd.s32 $0xFFFFD800  }
0x2c: {  	[tilespmem:s3], [sflag:$0x2] =	stream.linear.gather [hbm4b:s5+s3], $0x200, $0x38;
	[tilespmem:$0x2A00] =	vst v63  }
0x2d: {  	_ =	swait.ge [sflag:s4], $0x200  }
0x2e: {  	[sflag:s4] =	ssyncset.done $0x0  }
0x2f: {  	[sflag:s4] =	ssyncadd.s32 $0xFFFFFE00  }
0x30: {  	[tilespmem:s7], [sflag:$0x1] =	stream.indirect.gather [hbm4b:s2+s6], $0x80, s3, s6, $0xb8;
	[tilespmem:$0x2A00] =	vst v63  }
0x31: {  	_ =	swait.ge [sflag:s8], $0x2800  }
0x32: {  	[sflag:s8] =	ssyncset.done $0x0  }
0x33: {  	[sflag:s8] =	ssyncadd.s32 $0xFFFFD800  }
0x34: {  	[hbm4b:s9+s3] =	stream.linear.scatter [tilespmem:s7], [sflag:$0x2], $0x2800, $0x38;
	[tilespmem:$0x2A00] =	vst v63  }
0x35: {  	_ =	swait.ge [sflag:s4], $0x2800  }
0x36: {  	[sflag:s4] =	ssyncset.done $0x0  }
0x37: {  	[sflag:s4] =	ssyncadd.s32 $0xFFFFD800  }
0x38: {  	[tilespmem:s7], [sflag:$0x1] =	stream.indirect.gather [hbm4b:s2+s6], $0x80, s10, s6, $0xb8;
	[tilespmem:$0x2A00] =	vst v63  }
0x39: {  	_ =	swait.ge [sflag:s8], $0x2800  }
0x3a: {  	[sflag:s8] =	ssyncset.done $0x0  }
0x3b: {  	[sflag:s8] =	ssyncadd.s32 $0xFFFFD800  }
0x3c: {  	[hbm4b:s11+s3] =	stream.linear.scatter [tilespmem:s7], [sflag:$0x2], $0x2800, $0x38;
	[tilespmem:$0x2A00] =	vst v63  }
0x3d: {  	_ =	swait.ge [sflag:s4], $0x2800  }
0x3e: {  	[sflag:s4] =	ssyncset.done $0x0  }
0x3f: {  	[sflag:s4] =	ssyncadd.s32 $0xFFFFD800  }
0x40: {  	[tilespmem:s7], [sflag:$0x1] =	stream.indirect.gather [hbm4b:s2+s6], $0x80, s12, s6, $0xb8;
	[tilespmem:$0x2A00] =	vst v63  }
0x41: {  	_ =	swait.ge [sflag:s8], $0x2800  }
0x42: {  	[sflag:s8] =	ssyncset.done $0x0  }
0x43: {  	[sflag:s8] =	ssyncadd.s32 $0xFFFFD800  }
0x44: {  	[hbm4b:s13+s3] =	stream.linear.scatter [tilespmem:s7], [sflag:$0x2], $0x2800, $0x38;
	[tilespmem:$0x2A00] =	vst v63  }
0x45: {  	_ =	swait.ge [sflag:s4], $0x2800  }
0x46: {  	[sflag:s4] =	ssyncset.done $0x0  }
0x47: {  	[sflag:s4] =	ssyncadd.s32 $0xFFFFD800  }
0x48: {  	[tilespmem:s7], [sflag:$0x1] =	stream.indirect.gather [hbm4b:s2+s6], $0x80, s14, s6, $0xb8;
	[tilespmem:$0x2A00] =	vst v63  }
0x49: {  	_ =	swait.ge [sflag:s8], $0x2800  }
.Ltmp1:
0x4a: {  	[sflag:s8] =	ssyncset.done $0x0;
	(pc) =	sbr.rel @p0 .LBB2_1-.Ltmp1, $4  }
0x4b: {  	[sflag:s8] =	ssyncadd.s32 $0xFFFFD800  }
0x4c: {  	[hbm4b:s15+s3] =	stream.linear.scatter [tilespmem:s7], [sflag:$0x2], $0x2800, $0x38;
	[tilespmem:$0x2A00] =	vst v63  }
0x4d: {  	_ =	swait.ge [sflag:s4], $0x2800  }
0x4e: {  	[sflag:s4] =	ssyncset.done $0x0  }
.LBB2_2:
0x4f: {  	[sflag:s4] =	ssyncadd.s32 $0xFFFFD800  }
0x50: {  	_ =	sfence.sel $0x180000  }
0x51: {  	[bflag:$0x0] =	sbarrier.arrive $0xFFFF  }
0x52: {  	p0 =	sne.s32 s0, $0x0;
	_ =	strace $0x90000047  }
0x53: {  	s0 =	sadd.s32 @!p0 $0x100000, s1;
	[bflag:$0x2] =	sbarrier.arrive $0xFFFF  }
0x54: {  	[sflag:s0] =	ssyncadd.tile.s32 @!p0 $0x1;
	_ =	shalt  }
.Lfunc_end2:
_tile_overlayer_lowered:
.L_overlay_start_2:
0x55: {  	(tag) =	ssettag $0x2  }
0x56: {  	s0 =	rddreg [dreg:$0x0];
	s2 =	stileid.u32  }
0x57: {  	s1 =	rddreg [dreg:$0x1];
	p0 =	sne.s32 s2, $0x0  }
0x58: {  	s3 =	rddreg [dreg:$0x2];
	[bflag:$0x3] =	sbarrier.arrive $0xFFFF;
	s2 =	simm.s32 @!p0 $0x1C02  }
0x59: {  	[timem:s3], [sflag:s2] =	dma.local @!p0 [hbm:s0], s1  }
0x5a: {  	s0 =	simm.s32 @!p0 $0x2  }
0x5b: {  	_ =	swait.ge @!p0 [sflag:s0], s1  }
0x5c: {  	s1 =	ssub.s32 @!p0 $0x0, s1;
	[sflag:s0] =	ssyncset.done @!p0 $0x0  }
0x5d: {  	[sflag:s0] =	ssyncadd.s32 @!p0 s1  }
0x5e: {  	[bflag:$0x3] =	sbarrier.arrive $0xFFFF  }
0x5f: {  	_ =	shalt  }

</sc_bundles>
